<compile_context>
chip_gen: v7x
topology: tpu7x:2x2x1
jax: 0.10.2.dev20260603
libtpu: 0.0.44.dev20260713+nightly
codegen_flags: <defaults>
</compile_context>

<pallas_src>
import functools

import jax
import jax.numpy as jnp
from jax import lax
from jax.experimental import pallas as pl
from jax.experimental.pallas import tpu as pltpu
from jax.experimental.pallas import tpu_sc as plsc

EMB_DIM = 256
PROJ_DIM = 128
NATURE_BINS = 32
NATURE_DIM = 32
BATCH = 16384

_NHALF = 2
_HB = BATCH // _NHALF

_NC = 2
_NS = 16
_NW = _NC * _NS
_BPW = _HB // _NW
_CHUNK = 128
_NCHUNK = _BPW // _CHUNK


def _sc_gather_body(half, code_ids_h, name_ids_h, code_tab_h, name_tab_h,
                    code_out_h, name_out_h,
                    idx_c, idx_n, g0, g1, g2, g3,
                    sg0, sg1, sg2, sg3, ss0, ss1, ss2, ss3):
    wid = lax.axis_index("s") * _NC + lax.axis_index("c")
    base = wid * _BPW
    gbufs = (g0, g1, g2, g3)
    gsems = (sg0, sg1, sg2, sg3)
    ssems = (ss0, ss1, ss2, ss3)

    pltpu.sync_copy(code_ids_h.at[half, wid], idx_c)
    pltpu.sync_copy(name_ids_h.at[half, wid], idx_n)
    pend = []
    for j in range(_NCHUNK):
        pend.append(pltpu.async_copy(code_tab_h.at[idx_c.at[j]],
                                     gbufs[j], gsems[j]))
    for j in range(_NCHUNK):
        pend.append(pltpu.async_copy(name_tab_h.at[idx_n.at[j]],
                                     gbufs[_NCHUNK + j], gsems[_NCHUNK + j]))
    stores = []
    for j in range(_NCHUNK):
        pend[j].wait()
        stores.append(pltpu.async_copy(
            gbufs[j], code_out_h.at[pl.ds(base + j * _CHUNK, _CHUNK)],
            ssems[j]))
    for j in range(_NCHUNK):
        pend[_NCHUNK + j].wait()
        stores.append(pltpu.async_copy(
            gbufs[_NCHUNK + j],
            name_out_h.at[pl.ds(base + j * _CHUNK, _CHUNK)],
            ssems[_NCHUNK + j]))
    for s in stores:
        s.wait()


def _make_sc_gather(half):
    return functools.partial(
        pl.kernel,
        out_type=(jax.ShapeDtypeStruct((_HB, PROJ_DIM), jnp.float32),
                  jax.ShapeDtypeStruct((_HB, PROJ_DIM), jnp.float32)),
        mesh=plsc.VectorSubcoreMesh(core_axis_name="c", subcore_axis_name="s"),
        scratch_types=[
            pltpu.VMEM((_NCHUNK, _CHUNK), jnp.int32),
            pltpu.VMEM((_NCHUNK, _CHUNK), jnp.int32),
            pltpu.VMEM((_CHUNK, PROJ_DIM), jnp.float32),
            pltpu.VMEM((_CHUNK, PROJ_DIM), jnp.float32),
            pltpu.VMEM((_CHUNK, PROJ_DIM), jnp.float32),
            pltpu.VMEM((_CHUNK, PROJ_DIM), jnp.float32),
        ] + [pltpu.SemaphoreType.DMA] * 8,
    )(functools.partial(_sc_gather_body, half))


_sc_gather_0 = _make_sc_gather(0)
_sc_gather_1 = _make_sc_gather(1)


_BLK = 2048
_GRID_H = _HB // _BLK


def _tc_compute(nid_ref, cv_ref, nv_ref, ntab_ref, w_ref, b_ref, g_ref,
                be_ref, out_ref):
    cv = cv_ref[...].astype(jnp.bfloat16)
    nv = nv_ref[...].astype(jnp.bfloat16)
    nid = nid_ref[0, 0, :]
    w = w_ref[...].astype(jnp.bfloat16)
    onehot = (nid[:, None]
              == lax.broadcasted_iota(jnp.int32, (_BLK, NATURE_DIM), 1)
              ).astype(jnp.bfloat16)
    nat_w = jnp.dot(ntab_ref[...].astype(jnp.bfloat16), w[2 * PROJ_DIM:, :],
                    preferred_element_type=jnp.float32
                    ).astype(jnp.bfloat16)
    y = (jnp.dot(cv, w[:PROJ_DIM, :], preferred_element_type=jnp.float32)
         + jnp.dot(nv, w[PROJ_DIM:2 * PROJ_DIM, :],
                   preferred_element_type=jnp.float32)
         + jnp.dot(onehot, nat_w, preferred_element_type=jnp.float32)
         + b_ref[...])
    mean = jnp.mean(y, axis=-1, keepdims=True)
    var = jnp.mean((y - mean) ** 2, axis=-1, keepdims=True)
    out_ref[...] = ((y - mean) * lax.rsqrt(var + 1e-3) * g_ref[...]
                    + be_ref[...])


def _tc_body_first(nid_ref, cv_ref, nv_ref, ntab_ref, w_ref, b_ref, g_ref,
                   be_ref, out_ref):
    _tc_compute(nid_ref, cv_ref, nv_ref, ntab_ref, w_ref, b_ref, g_ref,
                be_ref, out_ref)


def _tc_body_second(prev_ref, nid_ref, cv_ref, nv_ref, ntab_ref, w_ref,
                    b_ref, g_ref, be_ref, out_ref):
    del prev_ref
    _tc_compute(nid_ref, cv_ref, nv_ref, ntab_ref, w_ref, b_ref, g_ref,
                be_ref, out_ref)


def _common_in_specs(half):
    return [
        pl.BlockSpec((1, 1, _BLK), lambda i: (i + half * _GRID_H, 0, 0)),
        pl.BlockSpec((_BLK, PROJ_DIM), lambda i: (i, 0)),
        pl.BlockSpec((_BLK, PROJ_DIM), lambda i: (i, 0)),
        pl.BlockSpec((NATURE_BINS, NATURE_DIM), lambda i: (0, 0)),
        pl.BlockSpec((2 * PROJ_DIM + NATURE_DIM, EMB_DIM), lambda i: (0, 0)),
        pl.BlockSpec((1, EMB_DIM), lambda i: (0, 0)),
        pl.BlockSpec((1, EMB_DIM), lambda i: (0, 0)),
        pl.BlockSpec((1, EMB_DIM), lambda i: (0, 0)),
    ]


_tc_first = pl.pallas_call(
    _tc_body_first,
    grid=(_GRID_H,),
    in_specs=_common_in_specs(0),
    out_specs=pl.BlockSpec((_BLK, EMB_DIM), lambda i: (i, 0)),
    out_shape=jax.ShapeDtypeStruct((BATCH, EMB_DIM), jnp.float32),
)

_tc_second = pl.pallas_call(
    _tc_body_second,
    grid=(_GRID_H,),
    in_specs=[pl.BlockSpec(memory_space=pl.ANY)] + _common_in_specs(1),
    out_specs=pl.BlockSpec((_BLK, EMB_DIM), lambda i: (i + _GRID_H, 0)),
    out_shape=jax.ShapeDtypeStruct((BATCH, EMB_DIM), jnp.float32),
    input_output_aliases={0: 0},
)


def kernel(code_ids, name_ids, nature_ids, code_table, name_table,
           nature_table, W, b, gamma, beta):
    ci = code_ids.astype(jnp.int32).reshape(_NHALF, _NW, _NCHUNK, _CHUNK)
    ni = name_ids.astype(jnp.int32).reshape(_NHALF, _NW, _NCHUNK, _CHUNK)
    ti = nature_ids.astype(jnp.int32).reshape(_NHALF * _GRID_H, 1, _BLK)
    b2 = b.reshape(1, EMB_DIM)
    g2 = gamma.reshape(1, EMB_DIM)
    be2 = beta.reshape(1, EMB_DIM)

    cv0, nv0 = _sc_gather_0(ci, ni, code_table, name_table)
    cv1, nv1 = _sc_gather_1(ci, ni, code_table, name_table)
    y0 = _tc_first(ti, cv0, nv0, nature_table, W, b2, g2, be2)
    return _tc_second(y0, ti, cv1, nv1, nature_table, W, b2, g2, be2)

# --- scband reference (transcript-rebuilt; emitter-appended) ---
"""Pipeline reference for scband-catalog-encoder-8589934699 (READ-ONLY COPY).

The authoritative reference and input builder live on the scoring server;
editing this copy changes nothing except your own understanding.
"""

import jax, jax.numpy as jnp
import numpy as np

EMB_DIM = 256
PROJ_DIM = max(64, EMB_DIM // 2)          # 128
NATURE_DIM = max(16, EMB_DIM // 8)        # 32
CODE_BINS = 4096
NAME_BINS = 16384
NATURE_BINS = 32
BATCH = 16384
CONCAT_DIM = PROJ_DIM + PROJ_DIM + NATURE_DIM  # 288


def setup_inputs(seed: int = 0) -> dict:
    key = jax.random.key(seed)
    ks = jax.random.split(key, 10)
    code_ids = jax.random.randint(ks[0], (BATCH,), 0, CODE_BINS, dtype=jnp.int64 if jax.config.jax_enable_x64 else jnp.int32)
    name_ids = jax.random.randint(ks[1], (BATCH,), 0, NAME_BINS, dtype=jnp.int64 if jax.config.jax_enable_x64 else jnp.int32)
    nature_ids = jax.random.randint(ks[2], (BATCH,), 0, NATURE_BINS, dtype=jnp.int64 if jax.config.jax_enable_x64 else jnp.int32)
    code_table = jax.random.normal(ks[3], (CODE_BINS, PROJ_DIM), dtype=jnp.float32) * 0.05
    name_table = jax.random.normal(ks[4], (NAME_BINS, PROJ_DIM), dtype=jnp.float32) * 0.05
    nature_table = jax.random.normal(ks[5], (NATURE_BINS, NATURE_DIM), dtype=jnp.float32) * 0.05
    W = jax.random.normal(ks[6], (CONCAT_DIM, EMB_DIM), dtype=jnp.float32) * (1.0 / np.sqrt(CONCAT_DIM))
    b = jnp.zeros((EMB_DIM,), dtype=jnp.float32)
    gamma = jnp.ones((EMB_DIM,), dtype=jnp.float32)
    beta = jnp.zeros((EMB_DIM,), dtype=jnp.float32)
    return {
        "code_ids": code_ids,
        "name_ids": name_ids,
        "nature_ids": nature_ids,
        "code_table": code_table,
        "name_table": name_table,
        "nature_table": nature_table,
        "W": W,
        "b": b,
        "gamma": gamma,
        "beta": beta,
    }


def reference(code_ids, name_ids, nature_ids, code_table, name_table, nature_table, W, b, gamma, beta):
    # Embedding gathers (hashing of strings -> ids is precomputed; ids are the hashed bins)
    code_vec = jnp.take(code_table, code_ids, axis=0)        # [B, 128]
    name_vec = jnp.take(name_table, name_ids, axis=0)        # [B, 128]
    nature_vec = jnp.take(nature_table, nature_ids, axis=0)  # [B, 32]
    x = jnp.concatenate([code_vec, name_vec, nature_vec], axis=-1)  # [B, 288]
    # Dense projection (no activation)
    x = x @ W + b  # [B, 256]
    # LayerNormalization (keras default: axis=-1, epsilon=1e-3)
    mean = jnp.mean(x, axis=-1, keepdims=True)
    var = jnp.var(x, axis=-1, keepdims=True)
    x = (x - mean) / jnp.sqrt(var + 1e-3)
    x = x * gamma + beta
    return x

if __name__ == "__main__":
    import jax
    _d = setup_inputs()
    print(jax.jit(kernel)(*tuple(_d.values())))

</pallas_src>

<mosaic_0001>
#map = affine_map<(d0, d1) -> (0, 0, 0, 0)>
#map1 = affine_map<(d0, d1) -> (0, 0)>
module attributes {stable_mosaic.version = 14 : i64} {
  func.func @_sc_gather_body(%arg0: i32, %arg1: i32, %arg2: memref<2x32x2x128xi32, #tpu.memory_space<hbm>>, %arg3: memref<2x32x2x128xi32, #tpu.memory_space<hbm>>, %arg4: memref<4096x128xf32, #tpu.memory_space<hbm>>, %arg5: memref<16384x128xf32, #tpu.memory_space<hbm>>, %arg6: memref<8192x128xf32, #tpu.memory_space<hbm>>, %arg7: memref<8192x128xf32, #tpu.memory_space<hbm>>, %arg8: memref<2x128xi32, #tpu.memory_space<vmem>>, %arg9: memref<2x128xi32, #tpu.memory_space<vmem>>, %arg10: memref<128x128xf32, #tpu.memory_space<vmem>>, %arg11: memref<128x128xf32, #tpu.memory_space<vmem>>, %arg12: memref<128x128xf32, #tpu.memory_space<vmem>>, %arg13: memref<128x128xf32, #tpu.memory_space<vmem>>, %arg14: memref<!tpu.dma_semaphore, #tpu.memory_space<semaphore_mem>>, %arg15: memref<!tpu.dma_semaphore, #tpu.memory_space<semaphore_mem>>, %arg16: memref<!tpu.dma_semaphore, #tpu.memory_space<semaphore_mem>>, %arg17: memref<!tpu.dma_semaphore, #tpu.memory_space<semaphore_mem>>, %arg18: memref<!tpu.dma_semaphore, #tpu.memory_space<semaphore_mem>>, %arg19: memref<!tpu.dma_semaphore, #tpu.memory_space<semaphore_mem>>, %arg20: memref<!tpu.dma_semaphore, #tpu.memory_space<semaphore_mem>>, %arg21: memref<!tpu.dma_semaphore, #tpu.memory_space<semaphore_mem>>) attributes {dimension_semantics = [#tpu.dimension_semantics<core_parallel>, #tpu.dimension_semantics<subcore_parallel>], iteration_bounds = array<i64: 2, 16>, scalar_prefetch = 0 : i64, scratch_operands = 14 : i64, tpu.core_type = #tpu.core_type<sc_vector_subcore>, window_params = [{transform_indices = #map}, {transform_indices = #map}, {transform_indices = #map1}, {transform_indices = #map1}, {transform_indices = #map1}, {transform_indices = #map1}]} {
    %mul3A = arith.constant 2 : i32
    %mul3A_0 = arith.muli %arg1, %mul3A : i32
    %add3A = arith.addi %mul3A_0, %arg0 : i32
    %mul3A_1 = arith.constant 256 : i32
    %mul3A_2 = arith.muli %add3A, %mul3A_1 : i32
    %run_scoped3A = arith.constant 1 : i32
    "tpu.region"() ({
      %run_scoped3A_98 = tpu.sem_alloc : memref<!tpu.dma_semaphore, #tpu.memory_space<semaphore_mem>>
      %dma_start3A_99 = arith.constant 0 : i32
      %dma_start3A_100 = arith.constant 0 : i32
      %dma_start3A_101 = tpu.memref_slice %arg2[%run_scoped3A, %add3A, %dma_start3A_99, %dma_start3A_100] : memref<2x32x2x128xi32, #tpu.memory_space<hbm>> -> memref<1x1x2x128xi32, #tpu.memory_space<hbm>>
      %dma_start3A_102 = tpu.memref_squeeze %dma_start3A_101 : memref<1x1x2x128xi32, #tpu.memory_space<hbm>> -> memref<2x128xi32, #tpu.memory_space<hbm>>
      %dma_start3A_103 = arith.constant 0 : i32
      %dma_start3A_104 = arith.constant 0 : i32
      %dma_start3A_105 = tpu.memref_slice %arg2[%run_scoped3A, %add3A, %dma_start3A_103, %dma_start3A_104] : memref<2x32x2x128xi32, #tpu.memory_space<hbm>> -> memref<1x1x2x128xi32, #tpu.memory_space<hbm>>
      %dma_start3A_106 = tpu.memref_squeeze %dma_start3A_105 : memref<1x1x2x128xi32, #tpu.memory_space<hbm>> -> memref<2x128xi32, #tpu.memory_space<hbm>>
      tpu.enqueue_dma source(%dma_start3A_106 : memref<2x128xi32, #tpu.memory_space<hbm>>) target(%arg8 : memref<2x128xi32, #tpu.memory_space<vmem>>) target_semaphore(%run_scoped3A_98 : memref<!tpu.dma_semaphore, #tpu.memory_space<semaphore_mem>>)
      %dma_wait3A_107 = arith.constant 0 : i32
      %dma_wait3A_108 = arith.constant 0 : i32
      %dma_wait3A_109 = tpu.memref_slice %arg2[%run_scoped3A, %add3A, %dma_wait3A_107, %dma_wait3A_108] : memref<2x32x2x128xi32, #tpu.memory_space<hbm>> -> memref<1x1x2x128xi32, #tpu.memory_space<hbm>>
      %dma_wait3A_110 = tpu.memref_squeeze %dma_wait3A_109 : memref<1x1x2x128xi32, #tpu.memory_space<hbm>> -> memref<2x128xi32, #tpu.memory_space<hbm>>
      %dma_wait3A_111 = arith.constant 0 : i32
      %dma_wait3A_112 = arith.constant 0 : i32
      %dma_wait3A_113 = tpu.memref_slice %arg2[%run_scoped3A, %add3A, %dma_wait3A_111, %dma_wait3A_112] : memref<2x32x2x128xi32, #tpu.memory_space<hbm>> -> memref<1x1x2x128xi32, #tpu.memory_space<hbm>>
      %dma_wait3A_114 = tpu.memref_squeeze %dma_wait3A_113 : memref<1x1x2x128xi32, #tpu.memory_space<hbm>> -> memref<2x128xi32, #tpu.memory_space<hbm>>
      tpu.wait_dma2 semaphore(%run_scoped3A_98 : memref<!tpu.dma_semaphore, #tpu.memory_space<semaphore_mem>>) src(%dma_wait3A_114 : memref<2x128xi32, #tpu.memory_space<hbm>>) dst(%arg8 : memref<2x128xi32, #tpu.memory_space<vmem>>)
      tpu.yield
    }) : () -> ()
    %run_scoped3A_3 = arith.constant 1 : i32
    "tpu.region"() ({
      %run_scoped3A_98 = tpu.sem_alloc : memref<!tpu.dma_semaphore, #tpu.memory_space<semaphore_mem>>
      %dma_start3A_99 = arith.constant 0 : i32
      %dma_start3A_100 = arith.constant 0 : i32
      %dma_start3A_101 = tpu.memref_slice %arg3[%run_scoped3A_3, %add3A, %dma_start3A_99, %dma_start3A_100] : memref<2x32x2x128xi32, #tpu.memory_space<hbm>> -> memref<1x1x2x128xi32, #tpu.memory_space<hbm>>
      %dma_start3A_102 = tpu.memref_squeeze %dma_start3A_101 : memref<1x1x2x128xi32, #tpu.memory_space<hbm>> -> memref<2x128xi32, #tpu.memory_space<hbm>>
      %dma_start3A_103 = arith.constant 0 : i32
      %dma_start3A_104 = arith.constant 0 : i32
      %dma_start3A_105 = tpu.memref_slice %arg3[%run_scoped3A_3, %add3A, %dma_start3A_103, %dma_start3A_104] : memref<2x32x2x128xi32, #tpu.memory_space<hbm>> -> memref<1x1x2x128xi32, #tpu.memory_space<hbm>>
      %dma_start3A_106 = tpu.memref_squeeze %dma_start3A_105 : memref<1x1x2x128xi32, #tpu.memory_space<hbm>> -> memref<2x128xi32, #tpu.memory_space<hbm>>
      tpu.enqueue_dma source(%dma_start3A_106 : memref<2x128xi32, #tpu.memory_space<hbm>>) target(%arg9 : memref<2x128xi32, #tpu.memory_space<vmem>>) target_semaphore(%run_scoped3A_98 : memref<!tpu.dma_semaphore, #tpu.memory_space<semaphore_mem>>)
      %dma_wait3A_107 = arith.constant 0 : i32
      %dma_wait3A_108 = arith.constant 0 : i32
      %dma_wait3A_109 = tpu.memref_slice %arg3[%run_scoped3A_3, %add3A, %dma_wait3A_107, %dma_wait3A_108] : memref<2x32x2x128xi32, #tpu.memory_space<hbm>> -> memref<1x1x2x128xi32, #tpu.memory_space<hbm>>
      %dma_wait3A_110 = tpu.memref_squeeze %dma_wait3A_109 : memref<1x1x2x128xi32, #tpu.memory_space<hbm>> -> memref<2x128xi32, #tpu.memory_space<hbm>>
      %dma_wait3A_111 = arith.constant 0 : i32
      %dma_wait3A_112 = arith.constant 0 : i32
      %dma_wait3A_113 = tpu.memref_slice %arg3[%run_scoped3A_3, %add3A, %dma_wait3A_111, %dma_wait3A_112] : memref<2x32x2x128xi32, #tpu.memory_space<hbm>> -> memref<1x1x2x128xi32, #tpu.memory_space<hbm>>
      %dma_wait3A_114 = tpu.memref_squeeze %dma_wait3A_113 : memref<1x1x2x128xi32, #tpu.memory_space<hbm>> -> memref<2x128xi32, #tpu.memory_space<hbm>>
      tpu.wait_dma2 semaphore(%run_scoped3A_98 : memref<!tpu.dma_semaphore, #tpu.memory_space<semaphore_mem>>) src(%dma_wait3A_114 : memref<2x128xi32, #tpu.memory_space<hbm>>) dst(%arg9 : memref<2x128xi32, #tpu.memory_space<vmem>>)
      tpu.yield
    }) : () -> ()
    %dma_start3A = arith.constant 0 : i32
    %dma_start3A_4 = arith.constant 0 : i32
    %dma_start3A_5 = tpu.memref_slice %arg8[%dma_start3A, %dma_start3A_4] : memref<2x128xi32, #tpu.memory_space<vmem>> -> memref<1x128xi32, #tpu.memory_space<vmem>>
    %dma_start3A_6 = tpu.memref_squeeze %dma_start3A_5 : memref<1x128xi32, #tpu.memory_space<vmem>> -> memref<128xi32, #tpu.memory_space<vmem>>
    %dma_start3A_7 = arith.constant 0 : i32
    %dma_start3A_8 = arith.constant 0 : i32
    %dma_start3A_9 = tpu.memref_slice %arg4[%dma_start3A_7, %dma_start3A_8] : memref<4096x128xf32, #tpu.memory_space<hbm>> -> memref<4096x128xf32, #tpu.memory_space<hbm>>
    tpu.enqueue_indirect_dma source(%dma_start3A_9 : memref<4096x128xf32, #tpu.memory_space<hbm>>) target(%arg10 : memref<128x128xf32, #tpu.memory_space<vmem>>) offsets(%dma_start3A_6 : memref<128xi32, #tpu.memory_space<vmem>>) semaphore(%arg14 : memref<!tpu.dma_semaphore, #tpu.memory_space<semaphore_mem>>)
    %dma_start3A_10 = arith.constant 1 : i32
    %dma_start3A_11 = arith.constant 0 : i32
    %dma_start3A_12 = tpu.memref_slice %arg8[%dma_start3A_10, %dma_start3A_11] : memref<2x128xi32, #tpu.memory_space<vmem>> -> memref<1x128xi32, #tpu.memory_space<vmem>>
    %dma_start3A_13 = tpu.memref_squeeze %dma_start3A_12 : memref<1x128xi32, #tpu.memory_space<vmem>> -> memref<128xi32, #tpu.memory_space<vmem>>
    %dma_start3A_14 = arith.constant 0 : i32
    %dma_start3A_15 = arith.constant 0 : i32
    %dma_start3A_16 = tpu.memref_slice %arg4[%dma_start3A_14, %dma_start3A_15] : memref<4096x128xf32, #tpu.memory_space<hbm>> -> memref<4096x128xf32, #tpu.memory_space<hbm>>
    tpu.enqueue_indirect_dma source(%dma_start3A_16 : memref<4096x128xf32, #tpu.memory_space<hbm>>) target(%arg11 : memref<128x128xf32, #tpu.memory_space<vmem>>) offsets(%dma_start3A_13 : memref<128xi32, #tpu.memory_space<vmem>>) semaphore(%arg15 : memref<!tpu.dma_semaphore, #tpu.memory_space<semaphore_mem>>)
    %dma_start3A_17 = arith.constant 0 : i32
    %dma_start3A_18 = arith.constant 0 : i32
    %dma_start3A_19 = tpu.memref_slice %arg9[%dma_start3A_17, %dma_start3A_18] : memref<2x128xi32, #tpu.memory_space<vmem>> -> memref<1x128xi32, #tpu.memory_space<vmem>>
    %dma_start3A_20 = tpu.memref_squeeze %dma_start3A_19 : memref<1x128xi32, #tpu.memory_space<vmem>> -> memref<128xi32, #tpu.memory_space<vmem>>
    %dma_start3A_21 = arith.constant 0 : i32
    %dma_start3A_22 = arith.constant 0 : i32
    %dma_start3A_23 = tpu.memref_slice %arg5[%dma_start3A_21, %dma_start3A_22] : memref<16384x128xf32, #tpu.memory_space<hbm>> -> memref<16384x128xf32, #tpu.memory_space<hbm>>
    tpu.enqueue_indirect_dma source(%dma_start3A_23 : memref<16384x128xf32, #tpu.memory_space<hbm>>) target(%arg12 : memref<128x128xf32, #tpu.memory_space<vmem>>) offsets(%dma_start3A_20 : memref<128xi32, #tpu.memory_space<vmem>>) semaphore(%arg16 : memref<!tpu.dma_semaphore, #tpu.memory_space<semaphore_mem>>)
    %dma_start3A_24 = arith.constant 1 : i32
    %dma_start3A_25 = arith.constant 0 : i32
    %dma_start3A_26 = tpu.memref_slice %arg9[%dma_start3A_24, %dma_start3A_25] : memref<2x128xi32, #tpu.memory_space<vmem>> -> memref<1x128xi32, #tpu.memory_space<vmem>>
    %dma_start3A_27 = tpu.memref_squeeze %dma_start3A_26 : memref<1x128xi32, #tpu.memory_space<vmem>> -> memref<128xi32, #tpu.memory_space<vmem>>
    %dma_start3A_28 = arith.constant 0 : i32
    %dma_start3A_29 = arith.constant 0 : i32
    %dma_start3A_30 = tpu.memref_slice %arg5[%dma_start3A_28, %dma_start3A_29] : memref<16384x128xf32, #tpu.memory_space<hbm>> -> memref<16384x128xf32, #tpu.memory_space<hbm>>
    tpu.enqueue_indirect_dma source(%dma_start3A_30 : memref<16384x128xf32, #tpu.memory_space<hbm>>) target(%arg13 : memref<128x128xf32, #tpu.memory_space<vmem>>) offsets(%dma_start3A_27 : memref<128xi32, #tpu.memory_space<vmem>>) semaphore(%arg17 : memref<!tpu.dma_semaphore, #tpu.memory_space<semaphore_mem>>)
    %dma_wait3A = arith.constant 0 : i32
    %dma_wait3A_31 = arith.constant 0 : i32
    %dma_wait3A_32 = tpu.memref_slice %arg8[%dma_wait3A, %dma_wait3A_31] : memref<2x128xi32, #tpu.memory_space<vmem>> -> memref<1x128xi32, #tpu.memory_space<vmem>>
    %dma_wait3A_33 = tpu.memref_squeeze %dma_wait3A_32 : memref<1x128xi32, #tpu.memory_space<vmem>> -> memref<128xi32, #tpu.memory_space<vmem>>
    %dma_wait3A_34 = arith.constant 0 : i32
    %dma_wait3A_35 = arith.constant 0 : i32
    %dma_wait3A_36 = tpu.memref_slice %arg4[%dma_wait3A_34, %dma_wait3A_35] : memref<4096x128xf32, #tpu.memory_space<hbm>> -> memref<4096x128xf32, #tpu.memory_space<hbm>>
    tpu.wait_indirect_dma semaphore(%arg14 : memref<!tpu.dma_semaphore, #tpu.memory_space<semaphore_mem>>) src(%dma_wait3A_36 : memref<4096x128xf32, #tpu.memory_space<hbm>>) dst(%arg10 : memref<128x128xf32, #tpu.memory_space<vmem>>)
    %add3A_37 = arith.constant 0 : i32
    %add3A_38 = arith.addi %mul3A_2, %add3A_37 : i32
    %dma_start3A_39 = arith.constant 0 : i32
    %dma_start3A_40 = tpu.memref_slice %arg6[%add3A_38, %dma_start3A_39] : memref<8192x128xf32, #tpu.memory_space<hbm>> -> memref<128x128xf32, #tpu.memory_space<hbm>>
    %dma_start3A_41 = arith.constant 0 : i32
    %dma_start3A_42 = tpu.memref_slice %arg6[%add3A_38, %dma_start3A_41] : memref<8192x128xf32, #tpu.memory_space<hbm>> -> memref<128x128xf32, #tpu.memory_space<hbm>>
    tpu.enqueue_dma source(%arg10 : memref<128x128xf32, #tpu.memory_space<vmem>>) target(%dma_start3A_42 : memref<128x128xf32, #tpu.memory_space<hbm>>) target_semaphore(%arg18 : memref<!tpu.dma_semaphore, #tpu.memory_space<semaphore_mem>>)
    %dma_wait3A_43 = arith.constant 1 : i32
    %dma_wait3A_44 = arith.constant 0 : i32
    %dma_wait3A_45 = tpu.memref_slice %arg8[%dma_wait3A_43, %dma_wait3A_44] : memref<2x128xi32, #tpu.memory_space<vmem>> -> memref<1x128xi32, #tpu.memory_space<vmem>>
    %dma_wait3A_46 = tpu.memref_squeeze %dma_wait3A_45 : memref<1x128xi32, #tpu.memory_space<vmem>> -> memref<128xi32, #tpu.memory_space<vmem>>
    %dma_wait3A_47 = arith.constant 0 : i32
    %dma_wait3A_48 = arith.constant 0 : i32
    %dma_wait3A_49 = tpu.memref_slice %arg4[%dma_wait3A_47, %dma_wait3A_48] : memref<4096x128xf32, #tpu.memory_space<hbm>> -> memref<4096x128xf32, #tpu.memory_space<hbm>>
    tpu.wait_indirect_dma semaphore(%arg15 : memref<!tpu.dma_semaphore, #tpu.memory_space<semaphore_mem>>) src(%dma_wait3A_49 : memref<4096x128xf32, #tpu.memory_space<hbm>>) dst(%arg11 : memref<128x128xf32, #tpu.memory_space<vmem>>)
    %add3A_50 = arith.constant 128 : i32
    %add3A_51 = arith.addi %mul3A_2, %add3A_50 : i32
    %dma_start3A_52 = arith.constant 0 : i32
    %dma_start3A_53 = tpu.memref_slice %arg6[%add3A_51, %dma_start3A_52] : memref<8192x128xf32, #tpu.memory_space<hbm>> -> memref<128x128xf32, #tpu.memory_space<hbm>>
    %dma_start3A_54 = arith.constant 0 : i32
    %dma_start3A_55 = tpu.memref_slice %arg6[%add3A_51, %dma_start3A_54] : memref<8192x128xf32, #tpu.memory_space<hbm>> -> memref<128x128xf32, #tpu.memory_space<hbm>>
    tpu.enqueue_dma source(%arg11 : memref<128x128xf32, #tpu.memory_space<vmem>>) target(%dma_start3A_55 : memref<128x128xf32, #tpu.memory_space<hbm>>) target_semaphore(%arg19 : memref<!tpu.dma_semaphore, #tpu.memory_space<semaphore_mem>>)
    %dma_wait3A_56 = arith.constant 0 : i32
    %dma_wait3A_57 = arith.constant 0 : i32
    %dma_wait3A_58 = tpu.memref_slice %arg9[%dma_wait3A_56, %dma_wait3A_57] : memref<2x128xi32, #tpu.memory_space<vmem>> -> memref<1x128xi32, #tpu.memory_space<vmem>>
    %dma_wait3A_59 = tpu.memref_squeeze %dma_wait3A_58 : memref<1x128xi32, #tpu.memory_space<vmem>> -> memref<128xi32, #tpu.memory_space<vmem>>
    %dma_wait3A_60 = arith.constant 0 : i32
    %dma_wait3A_61 = arith.constant 0 : i32
    %dma_wait3A_62 = tpu.memref_slice %arg5[%dma_wait3A_60, %dma_wait3A_61] : memref<16384x128xf32, #tpu.memory_space<hbm>> -> memref<16384x128xf32, #tpu.memory_space<hbm>>
    tpu.wait_indirect_dma semaphore(%arg16 : memref<!tpu.dma_semaphore, #tpu.memory_space<semaphore_mem>>) src(%dma_wait3A_62 : memref<16384x128xf32, #tpu.memory_space<hbm>>) dst(%arg12 : memref<128x128xf32, #tpu.memory_space<vmem>>)
    %add3A_63 = arith.constant 0 : i32
    %add3A_64 = arith.addi %mul3A_2, %add3A_63 : i32
    %dma_start3A_65 = arith.constant 0 : i32
    %dma_start3A_66 = tpu.memref_slice %arg7[%add3A_64, %dma_start3A_65] : memref<8192x128xf32, #tpu.memory_space<hbm>> -> memref<128x128xf32, #tpu.memory_space<hbm>>
    %dma_start3A_67 = arith.constant 0 : i32
    %dma_start3A_68 = tpu.memref_slice %arg7[%add3A_64, %dma_start3A_67] : memref<8192x128xf32, #tpu.memory_space<hbm>> -> memref<128x128xf32, #tpu.memory_space<hbm>>
    tpu.enqueue_dma source(%arg12 : memref<128x128xf32, #tpu.memory_space<vmem>>) target(%dma_start3A_68 : memref<128x128xf32, #tpu.memory_space<hbm>>) target_semaphore(%arg20 : memref<!tpu.dma_semaphore, #tpu.memory_space<semaphore_mem>>)
    %dma_wait3A_69 = arith.constant 1 : i32
    %dma_wait3A_70 = arith.constant 0 : i32
    %dma_wait3A_71 = tpu.memref_slice %arg9[%dma_wait3A_69, %dma_wait3A_70] : memref<2x128xi32, #tpu.memory_space<vmem>> -> memref<1x128xi32, #tpu.memory_space<vmem>>
    %dma_wait3A_72 = tpu.memref_squeeze %dma_wait3A_71 : memref<1x128xi32, #tpu.memory_space<vmem>> -> memref<128xi32, #tpu.memory_space<vmem>>
    %dma_wait3A_73 = arith.constant 0 : i32
    %dma_wait3A_74 = arith.constant 0 : i32
    %dma_wait3A_75 = tpu.memref_slice %arg5[%dma_wait3A_73, %dma_wait3A_74] : memref<16384x128xf32, #tpu.memory_space<hbm>> -> memref<16384x128xf32, #tpu.memory_space<hbm>>
    tpu.wait_indirect_dma semaphore(%arg17 : memref<!tpu.dma_semaphore, #tpu.memory_space<semaphore_mem>>) src(%dma_wait3A_75 : memref<16384x128xf32, #tpu.memory_space<hbm>>) dst(%arg13 : memref<128x128xf32, #tpu.memory_space<vmem>>)
    %add3A_76 = arith.constant 128 : i32
    %add3A_77 = arith.addi %mul3A_2, %add3A_76 : i32
    %dma_start3A_78 = arith.constant 0 : i32
    %dma_start3A_79 = tpu.memref_slice %arg7[%add3A_77, %dma_start3A_78] : memref<8192x128xf32, #tpu.memory_space<hbm>> -> memref<128x128xf32, #tpu.memory_space<hbm>>
    %dma_start3A_80 = arith.constant 0 : i32
    %dma_start3A_81 = tpu.memref_slice %arg7[%add3A_77, %dma_start3A_80] : memref<8192x128xf32, #tpu.memory_space<hbm>> -> memref<128x128xf32, #tpu.memory_space<hbm>>
    tpu.enqueue_dma source(%arg13 : memref<128x128xf32, #tpu.memory_space<vmem>>) target(%dma_start3A_81 : memref<128x128xf32, #tpu.memory_space<hbm>>) target_semaphore(%arg21 : memref<!tpu.dma_semaphore, #tpu.memory_space<semaphore_mem>>)
    %dma_wait3A_82 = arith.constant 0 : i32
    %dma_wait3A_83 = tpu.memref_slice %arg6[%add3A_38, %dma_wait3A_82] : memref<8192x128xf32, #tpu.memory_space<hbm>> -> memref<128x128xf32, #tpu.memory_space<hbm>>
    %dma_wait3A_84 = arith.constant 0 : i32
    %dma_wait3A_85 = tpu.memref_slice %arg6[%add3A_38, %dma_wait3A_84] : memref<8192x128xf32, #tpu.memory_space<hbm>> -> memref<128x128xf32, #tpu.memory_space<hbm>>
    tpu.wait_dma2 semaphore(%arg18 : memref<!tpu.dma_semaphore, #tpu.memory_space<semaphore_mem>>) src(%arg10 : memref<128x128xf32, #tpu.memory_space<vmem>>) dst(%dma_wait3A_85 : memref<128x128xf32, #tpu.memory_space<hbm>>)
    %dma_wait3A_86 = arith.constant 0 : i32
    %dma_wait3A_87 = tpu.memref_slice %arg6[%add3A_51, %dma_wait3A_86] : memref<8192x128xf32, #tpu.memory_space<hbm>> -> memref<128x128xf32, #tpu.memory_space<hbm>>
    %dma_wait3A_88 = arith.constant 0 : i32
    %dma_wait3A_89 = tpu.memref_slice %arg6[%add3A_51, %dma_wait3A_88] : memref<8192x128xf32, #tpu.memory_space<hbm>> -> memref<128x128xf32, #tpu.memory_space<hbm>>
    tpu.wait_dma2 semaphore(%arg19 : memref<!tpu.dma_semaphore, #tpu.memory_space<semaphore_mem>>) src(%arg11 : memref<128x128xf32, #tpu.memory_space<vmem>>) dst(%dma_wait3A_89 : memref<128x128xf32, #tpu.memory_space<hbm>>)
    %dma_wait3A_90 = arith.constant 0 : i32
    %dma_wait3A_91 = tpu.memref_slice %arg7[%add3A_64, %dma_wait3A_90] : memref<8192x128xf32, #tpu.memory_space<hbm>> -> memref<128x128xf32, #tpu.memory_space<hbm>>
    %dma_wait3A_92 = arith.constant 0 : i32
    %dma_wait3A_93 = tpu.memref_slice %arg7[%add3A_64, %dma_wait3A_92] : memref<8192x128xf32, #tpu.memory_space<hbm>> -> memref<128x128xf32, #tpu.memory_space<hbm>>
    tpu.wait_dma2 semaphore(%arg20 : memref<!tpu.dma_semaphore, #tpu.memory_space<semaphore_mem>>) src(%arg12 : memref<128x128xf32, #tpu.memory_space<vmem>>) dst(%dma_wait3A_93 : memref<128x128xf32, #tpu.memory_space<hbm>>)
    %dma_wait3A_94 = arith.constant 0 : i32
    %dma_wait3A_95 = tpu.memref_slice %arg7[%add3A_77, %dma_wait3A_94] : memref<8192x128xf32, #tpu.memory_space<hbm>> -> memref<128x128xf32, #tpu.memory_space<hbm>>
    %dma_wait3A_96 = arith.constant 0 : i32
    %dma_wait3A_97 = tpu.memref_slice %arg7[%add3A_77, %dma_wait3A_96] : memref<8192x128xf32, #tpu.memory_space<hbm>> -> memref<128x128xf32, #tpu.memory_space<hbm>>
    tpu.wait_dma2 semaphore(%arg21 : memref<!tpu.dma_semaphore, #tpu.memory_space<semaphore_mem>>) src(%arg13 : memref<128x128xf32, #tpu.memory_space<vmem>>) dst(%dma_wait3A_97 : memref<128x128xf32, #tpu.memory_space<hbm>>)
    return
  }
}

#map = affine_map<(d0, d1) -> (0, 0, 0, 0)>
#map1 = affine_map<(d0, d1) -> (0, 0)>
module attributes {stable_mosaic.version = 14 : i64} {
  func.func @_sc_gather_body(%arg0: i32, %arg1: i32, %arg2: memref<2x32x2x128xi32, #tpu.memory_space<hbm>>, %arg3: memref<2x32x2x128xi32, #tpu.memory_space<hbm>>, %arg4: memref<4096x128xf32, #tpu.memory_space<hbm>>, %arg5: memref<16384x128xf32, #tpu.memory_space<hbm>>, %arg6: memref<8192x128xf32, #tpu.memory_space<hbm>>, %arg7: memref<8192x128xf32, #tpu.memory_space<hbm>>, %arg8: memref<2x128xi32, #tpu.memory_space<vmem>>, %arg9: memref<2x128xi32, #tpu.memory_space<vmem>>, %arg10: memref<128x128xf32, #tpu.memory_space<vmem>>, %arg11: memref<128x128xf32, #tpu.memory_space<vmem>>, %arg12: memref<128x128xf32, #tpu.memory_space<vmem>>, %arg13: memref<128x128xf32, #tpu.memory_space<vmem>>, %arg14: memref<!tpu.dma_semaphore, #tpu.memory_space<semaphore_mem>>, %arg15: memref<!tpu.dma_semaphore, #tpu.memory_space<semaphore_mem>>, %arg16: memref<!tpu.dma_semaphore, #tpu.memory_space<semaphore_mem>>, %arg17: memref<!tpu.dma_semaphore, #tpu.memory_space<semaphore_mem>>, %arg18: memref<!tpu.dma_semaphore, #tpu.memory_space<semaphore_mem>>, %arg19: memref<!tpu.dma_semaphore, #tpu.memory_space<semaphore_mem>>, %arg20: memref<!tpu.dma_semaphore, #tpu.memory_space<semaphore_mem>>, %arg21: memref<!tpu.dma_semaphore, #tpu.memory_space<semaphore_mem>>) attributes {dimension_semantics = [#tpu.dimension_semantics<core_parallel>, #tpu.dimension_semantics<subcore_parallel>], iteration_bounds = array<i64: 2, 16>, scalar_prefetch = 0 : i64, scratch_operands = 14 : i64, tpu.core_type = #tpu.core_type<sc_vector_subcore>, window_params = [{transform_indices = #map}, {transform_indices = #map}, {transform_indices = #map1}, {transform_indices = #map1}, {transform_indices = #map1}, {transform_indices = #map1}]} {
    %mul3A = arith.constant 2 : i32
    %mul3A_0 = arith.muli %arg1, %mul3A : i32
    %add3A = arith.addi %mul3A_0, %arg0 : i32
    %mul3A_1 = arith.constant 256 : i32
    %mul3A_2 = arith.muli %add3A, %mul3A_1 : i32
    %run_scoped3A = arith.constant 0 : i32
    "tpu.region"() ({
      %run_scoped3A_98 = tpu.sem_alloc : memref<!tpu.dma_semaphore, #tpu.memory_space<semaphore_mem>>
      %dma_start3A_99 = arith.constant 0 : i32
      %dma_start3A_100 = arith.constant 0 : i32
      %dma_start3A_101 = tpu.memref_slice %arg2[%run_scoped3A, %add3A, %dma_start3A_99, %dma_start3A_100] : memref<2x32x2x128xi32, #tpu.memory_space<hbm>> -> memref<1x1x2x128xi32, #tpu.memory_space<hbm>>
      %dma_start3A_102 = tpu.memref_squeeze %dma_start3A_101 : memref<1x1x2x128xi32, #tpu.memory_space<hbm>> -> memref<2x128xi32, #tpu.memory_space<hbm>>
      %dma_start3A_103 = arith.constant 0 : i32
      %dma_start3A_104 = arith.constant 0 : i32
      %dma_start3A_105 = tpu.memref_slice %arg2[%run_scoped3A, %add3A, %dma_start3A_103, %dma_start3A_104] : memref<2x32x2x128xi32, #tpu.memory_space<hbm>> -> memref<1x1x2x128xi32, #tpu.memory_space<hbm>>
      %dma_start3A_106 = tpu.memref_squeeze %dma_start3A_105 : memref<1x1x2x128xi32, #tpu.memory_space<hbm>> -> memref<2x128xi32, #tpu.memory_space<hbm>>
      tpu.enqueue_dma source(%dma_start3A_106 : memref<2x128xi32, #tpu.memory_space<hbm>>) target(%arg8 : memref<2x128xi32, #tpu.memory_space<vmem>>) target_semaphore(%run_scoped3A_98 : memref<!tpu.dma_semaphore, #tpu.memory_space<semaphore_mem>>)
      %dma_wait3A_107 = arith.constant 0 : i32
      %dma_wait3A_108 = arith.constant 0 : i32
      %dma_wait3A_109 = tpu.memref_slice %arg2[%run_scoped3A, %add3A, %dma_wait3A_107, %dma_wait3A_108] : memref<2x32x2x128xi32, #tpu.memory_space<hbm>> -> memref<1x1x2x128xi32, #tpu.memory_space<hbm>>
      %dma_wait3A_110 = tpu.memref_squeeze %dma_wait3A_109 : memref<1x1x2x128xi32, #tpu.memory_space<hbm>> -> memref<2x128xi32, #tpu.memory_space<hbm>>
      %dma_wait3A_111 = arith.constant 0 : i32
      %dma_wait3A_112 = arith.constant 0 : i32
      %dma_wait3A_113 = tpu.memref_slice %arg2[%run_scoped3A, %add3A, %dma_wait3A_111, %dma_wait3A_112] : memref<2x32x2x128xi32, #tpu.memory_space<hbm>> -> memref<1x1x2x128xi32, #tpu.memory_space<hbm>>
      %dma_wait3A_114 = tpu.memref_squeeze %dma_wait3A_113 : memref<1x1x2x128xi32, #tpu.memory_space<hbm>> -> memref<2x128xi32, #tpu.memory_space<hbm>>
      tpu.wait_dma2 semaphore(%run_scoped3A_98 : memref<!tpu.dma_semaphore, #tpu.memory_space<semaphore_mem>>) src(%dma_wait3A_114 : memref<2x128xi32, #tpu.memory_space<hbm>>) dst(%arg8 : memref<2x128xi32, #tpu.memory_space<vmem>>)
      tpu.yield
    }) : () -> ()
    %run_scoped3A_3 = arith.constant 0 : i32
    "tpu.region"() ({
      %run_scoped3A_98 = tpu.sem_alloc : memref<!tpu.dma_semaphore, #tpu.memory_space<semaphore_mem>>
      %dma_start3A_99 = arith.constant 0 : i32
      %dma_start3A_100 = arith.constant 0 : i32
      %dma_start3A_101 = tpu.memref_slice %arg3[%run_scoped3A_3, %add3A, %dma_start3A_99, %dma_start3A_100] : memref<2x32x2x128xi32, #tpu.memory_space<hbm>> -> memref<1x1x2x128xi32, #tpu.memory_space<hbm>>
      %dma_start3A_102 = tpu.memref_squeeze %dma_start3A_101 : memref<1x1x2x128xi32, #tpu.memory_space<hbm>> -> memref<2x128xi32, #tpu.memory_space<hbm>>
      %dma_start3A_103 = arith.constant 0 : i32
      %dma_start3A_104 = arith.constant 0 : i32
      %dma_start3A_105 = tpu.memref_slice %arg3[%run_scoped3A_3, %add3A, %dma_start3A_103, %dma_start3A_104] : memref<2x32x2x128xi32, #tpu.memory_space<hbm>> -> memref<1x1x2x128xi32, #tpu.memory_space<hbm>>
      %dma_start3A_106 = tpu.memref_squeeze %dma_start3A_105 : memref<1x1x2x128xi32, #tpu.memory_space<hbm>> -> memref<2x128xi32, #tpu.memory_space<hbm>>
      tpu.enqueue_dma source(%dma_start3A_106 : memref<2x128xi32, #tpu.memory_space<hbm>>) target(%arg9 : memref<2x128xi32, #tpu.memory_space<vmem>>) target_semaphore(%run_scoped3A_98 : memref<!tpu.dma_semaphore, #tpu.memory_space<semaphore_mem>>)
      %dma_wait3A_107 = arith.constant 0 : i32
      %dma_wait3A_108 = arith.constant 0 : i32
      %dma_wait3A_109 = tpu.memref_slice %arg3[%run_scoped3A_3, %add3A, %dma_wait3A_107, %dma_wait3A_108] : memref<2x32x2x128xi32, #tpu.memory_space<hbm>> -> memref<1x1x2x128xi32, #tpu.memory_space<hbm>>
      %dma_wait3A_110 = tpu.memref_squeeze %dma_wait3A_109 : memref<1x1x2x128xi32, #tpu.memory_space<hbm>> -> memref<2x128xi32, #tpu.memory_space<hbm>>
      %dma_wait3A_111 = arith.constant 0 : i32
      %dma_wait3A_112 = arith.constant 0 : i32
      %dma_wait3A_113 = tpu.memref_slice %arg3[%run_scoped3A_3, %add3A, %dma_wait3A_111, %dma_wait3A_112] : memref<2x32x2x128xi32, #tpu.memory_space<hbm>> -> memref<1x1x2x128xi32, #tpu.memory_space<hbm>>
      %dma_wait3A_114 = tpu.memref_squeeze %dma_wait3A_113 : memref<1x1x2x128xi32, #tpu.memory_space<hbm>> -> memref<2x128xi32, #tpu.memory_space<hbm>>
      tpu.wait_dma2 semaphore(%run_scoped3A_98 : memref<!tpu.dma_semaphore, #tpu.memory_space<semaphore_mem>>) src(%dma_wait3A_114 : memref<2x128xi32, #tpu.memory_space<hbm>>) dst(%arg9 : memref<2x128xi32, #tpu.memory_space<vmem>>)
      tpu.yield
    }) : () -> ()
    %dma_start3A = arith.constant 0 : i32
    %dma_start3A_4 = arith.constant 0 : i32
    %dma_start3A_5 = tpu.memref_slice %arg8[%dma_start3A, %dma_start3A_4] : memref<2x128xi32, #tpu.memory_space<vmem>> -> memref<1x128xi32, #tpu.memory_space<vmem>>
    %dma_start3A_6 = tpu.memref_squeeze %dma_start3A_5 : memref<1x128xi32, #tpu.memory_space<vmem>> -> memref<128xi32, #tpu.memory_space<vmem>>
    %dma_start3A_7 = arith.constant 0 : i32
    %dma_start3A_8 = arith.constant 0 : i32
    %dma_start3A_9 = tpu.memref_slice %arg4[%dma_start3A_7, %dma_start3A_8] : memref<4096x128xf32, #tpu.memory_space<hbm>> -> memref<4096x128xf32, #tpu.memory_space<hbm>>
    tpu.enqueue_indirect_dma source(%dma_start3A_9 : memref<4096x128xf32, #tpu.memory_space<hbm>>) target(%arg10 : memref<128x128xf32, #tpu.memory_space<vmem>>) offsets(%dma_start3A_6 : memref<128xi32, #tpu.memory_space<vmem>>) semaphore(%arg14 : memref<!tpu.dma_semaphore, #tpu.memory_space<semaphore_mem>>)
    %dma_start3A_10 = arith.constant 1 : i32
    %dma_start3A_11 = arith.constant 0 : i32
    %dma_start3A_12 = tpu.memref_slice %arg8[%dma_start3A_10, %dma_start3A_11] : memref<2x128xi32, #tpu.memory_space<vmem>> -> memref<1x128xi32, #tpu.memory_space<vmem>>
    %dma_start3A_13 = tpu.memref_squeeze %dma_start3A_12 : memref<1x128xi32, #tpu.memory_space<vmem>> -> memref<128xi32, #tpu.memory_space<vmem>>
    %dma_start3A_14 = arith.constant 0 : i32
    %dma_start3A_15 = arith.constant 0 : i32
    %dma_start3A_16 = tpu.memref_slice %arg4[%dma_start3A_14, %dma_start3A_15] : memref<4096x128xf32, #tpu.memory_space<hbm>> -> memref<4096x128xf32, #tpu.memory_space<hbm>>
    tpu.enqueue_indirect_dma source(%dma_start3A_16 : memref<4096x128xf32, #tpu.memory_space<hbm>>) target(%arg11 : memref<128x128xf32, #tpu.memory_space<vmem>>) offsets(%dma_start3A_13 : memref<128xi32, #tpu.memory_space<vmem>>) semaphore(%arg15 : memref<!tpu.dma_semaphore, #tpu.memory_space<semaphore_mem>>)
    %dma_start3A_17 = arith.constant 0 : i32
    %dma_start3A_18 = arith.constant 0 : i32
    %dma_start3A_19 = tpu.memref_slice %arg9[%dma_start3A_17, %dma_start3A_18] : memref<2x128xi32, #tpu.memory_space<vmem>> -> memref<1x128xi32, #tpu.memory_space<vmem>>
    %dma_start3A_20 = tpu.memref_squeeze %dma_start3A_19 : memref<1x128xi32, #tpu.memory_space<vmem>> -> memref<128xi32, #tpu.memory_space<vmem>>
    %dma_start3A_21 = arith.constant 0 : i32
    %dma_start3A_22 = arith.constant 0 : i32
    %dma_start3A_23 = tpu.memref_slice %arg5[%dma_start3A_21, %dma_start3A_22] : memref<16384x128xf32, #tpu.memory_space<hbm>> -> memref<16384x128xf32, #tpu.memory_space<hbm>>
    tpu.enqueue_indirect_dma source(%dma_start3A_23 : memref<16384x128xf32, #tpu.memory_space<hbm>>) target(%arg12 : memref<128x128xf32, #tpu.memory_space<vmem>>) offsets(%dma_start3A_20 : memref<128xi32, #tpu.memory_space<vmem>>) semaphore(%arg16 : memref<!tpu.dma_semaphore, #tpu.memory_space<semaphore_mem>>)
    %dma_start3A_24 = arith.constant 1 : i32
    %dma_start3A_25 = arith.constant 0 : i32
    %dma_start3A_26 = tpu.memref_slice %arg9[%dma_start3A_24, %dma_start3A_25] : memref<2x128xi32, #tpu.memory_space<vmem>> -> memref<1x128xi32, #tpu.memory_space<vmem>>
    %dma_start3A_27 = tpu.memref_squeeze %dma_start3A_26 : memref<1x128xi32, #tpu.memory_space<vmem>> -> memref<128xi32, #tpu.memory_space<vmem>>
    %dma_start3A_28 = arith.constant 0 : i32
    %dma_start3A_29 = arith.constant 0 : i32
    %dma_start3A_30 = tpu.memref_slice %arg5[%dma_start3A_28, %dma_start3A_29] : memref<16384x128xf32, #tpu.memory_space<hbm>> -> memref<16384x128xf32, #tpu.memory_space<hbm>>
    tpu.enqueue_indirect_dma source(%dma_start3A_30 : memref<16384x128xf32, #tpu.memory_space<hbm>>) target(%arg13 : memref<128x128xf32, #tpu.memory_space<vmem>>) offsets(%dma_start3A_27 : memref<128xi32, #tpu.memory_space<vmem>>) semaphore(%arg17 : memref<!tpu.dma_semaphore, #tpu.memory_space<semaphore_mem>>)
    %dma_wait3A = arith.constant 0 : i32
    %dma_wait3A_31 = arith.constant 0 : i32
    %dma_wait3A_32 = tpu.memref_slice %arg8[%dma_wait3A, %dma_wait3A_31] : memref<2x128xi32, #tpu.memory_space<vmem>> -> memref<1x128xi32, #tpu.memory_space<vmem>>
    %dma_wait3A_33 = tpu.memref_squeeze %dma_wait3A_32 : memref<1x128xi32, #tpu.memory_space<vmem>> -> memref<128xi32, #tpu.memory_space<vmem>>
    %dma_wait3A_34 = arith.constant 0 : i32
    %dma_wait3A_35 = arith.constant 0 : i32
    %dma_wait3A_36 = tpu.memref_slice %arg4[%dma_wait3A_34, %dma_wait3A_35] : memref<4096x128xf32, #tpu.memory_space<hbm>> -> memref<4096x128xf32, #tpu.memory_space<hbm>>
    tpu.wait_indirect_dma semaphore(%arg14 : memref<!tpu.dma_semaphore, #tpu.memory_space<semaphore_mem>>) src(%dma_wait3A_36 : memref<4096x128xf32, #tpu.memory_space<hbm>>) dst(%arg10 : memref<128x128xf32, #tpu.memory_space<vmem>>)
    %add3A_37 = arith.constant 0 : i32
    %add3A_38 = arith.addi %mul3A_2, %add3A_37 : i32
    %dma_start3A_39 = arith.constant 0 : i32
    %dma_start3A_40 = tpu.memref_slice %arg6[%add3A_38, %dma_start3A_39] : memref<8192x128xf32, #tpu.memory_space<hbm>> -> memref<128x128xf32, #tpu.memory_space<hbm>>
    %dma_start3A_41 = arith.constant 0 : i32
    %dma_start3A_42 = tpu.memref_slice %arg6[%add3A_38, %dma_start3A_41] : memref<8192x128xf32, #tpu.memory_space<hbm>> -> memref<128x128xf32, #tpu.memory_space<hbm>>
    tpu.enqueue_dma source(%arg10 : memref<128x128xf32, #tpu.memory_space<vmem>>) target(%dma_start3A_42 : memref<128x128xf32, #tpu.memory_space<hbm>>) target_semaphore(%arg18 : memref<!tpu.dma_semaphore, #tpu.memory_space<semaphore_mem>>)
    %dma_wait3A_43 = arith.constant 1 : i32
    %dma_wait3A_44 = arith.constant 0 : i32
    %dma_wait3A_45 = tpu.memref_slice %arg8[%dma_wait3A_43, %dma_wait3A_44] : memref<2x128xi32, #tpu.memory_space<vmem>> -> memref<1x128xi32, #tpu.memory_space<vmem>>
    %dma_wait3A_46 = tpu.memref_squeeze %dma_wait3A_45 : memref<1x128xi32, #tpu.memory_space<vmem>> -> memref<128xi32, #tpu.memory_space<vmem>>
    %dma_wait3A_47 = arith.constant 0 : i32
    %dma_wait3A_48 = arith.constant 0 : i32
    %dma_wait3A_49 = tpu.memref_slice %arg4[%dma_wait3A_47, %dma_wait3A_48] : memref<4096x128xf32, #tpu.memory_space<hbm>> -> memref<4096x128xf32, #tpu.memory_space<hbm>>
    tpu.wait_indirect_dma semaphore(%arg15 : memref<!tpu.dma_semaphore, #tpu.memory_space<semaphore_mem>>) src(%dma_wait3A_49 : memref<4096x128xf32, #tpu.memory_space<hbm>>) dst(%arg11 : memref<128x128xf32, #tpu.memory_space<vmem>>)
    %add3A_50 = arith.constant 128 : i32
    %add3A_51 = arith.addi %mul3A_2, %add3A_50 : i32
    %dma_start3A_52 = arith.constant 0 : i32
    %dma_start3A_53 = tpu.memref_slice %arg6[%add3A_51, %dma_start3A_52] : memref<8192x128xf32, #tpu.memory_space<hbm>> -> memref<128x128xf32, #tpu.memory_space<hbm>>
    %dma_start3A_54 = arith.constant 0 : i32
    %dma_start3A_55 = tpu.memref_slice %arg6[%add3A_51, %dma_start3A_54] : memref<8192x128xf32, #tpu.memory_space<hbm>> -> memref<128x128xf32, #tpu.memory_space<hbm>>
    tpu.enqueue_dma source(%arg11 : memref<128x128xf32, #tpu.memory_space<vmem>>) target(%dma_start3A_55 : memref<128x128xf32, #tpu.memory_space<hbm>>) target_semaphore(%arg19 : memref<!tpu.dma_semaphore, #tpu.memory_space<semaphore_mem>>)
    %dma_wait3A_56 = arith.constant 0 : i32
    %dma_wait3A_57 = arith.constant 0 : i32
    %dma_wait3A_58 = tpu.memref_slice %arg9[%dma_wait3A_56, %dma_wait3A_57] : memref<2x128xi32, #tpu.memory_space<vmem>> -> memref<1x128xi32, #tpu.memory_space<vmem>>
    %dma_wait3A_59 = tpu.memref_squeeze %dma_wait3A_58 : memref<1x128xi32, #tpu.memory_space<vmem>> -> memref<128xi32, #tpu.memory_space<vmem>>
    %dma_wait3A_60 = arith.constant 0 : i32
    %dma_wait3A_61 = arith.constant 0 : i32
    %dma_wait3A_62 = tpu.memref_slice %arg5[%dma_wait3A_60, %dma_wait3A_61] : memref<16384x128xf32, #tpu.memory_space<hbm>> -> memref<16384x128xf32, #tpu.memory_space<hbm>>
    tpu.wait_indirect_dma semaphore(%arg16 : memref<!tpu.dma_semaphore, #tpu.memory_space<semaphore_mem>>) src(%dma_wait3A_62 : memref<16384x128xf32, #tpu.memory_space<hbm>>) dst(%arg12 : memref<128x128xf32, #tpu.memory_space<vmem>>)
    %add3A_63 = arith.constant 0 : i32
    %add3A_64 = arith.addi %mul3A_2, %add3A_63 : i32
    %dma_start3A_65 = arith.constant 0 : i32
    %dma_start3A_66 = tpu.memref_slice %arg7[%add3A_64, %dma_start3A_65] : memref<8192x128xf32, #tpu.memory_space<hbm>> -> memref<128x128xf32, #tpu.memory_space<hbm>>
    %dma_start3A_67 = arith.constant 0 : i32
    %dma_start3A_68 = tpu.memref_slice %arg7[%add3A_64, %dma_start3A_67] : memref<8192x128xf32, #tpu.memory_space<hbm>> -> memref<128x128xf32, #tpu.memory_space<hbm>>
    tpu.enqueue_dma source(%arg12 : memref<128x128xf32, #tpu.memory_space<vmem>>) target(%dma_start3A_68 : memref<128x128xf32, #tpu.memory_space<hbm>>) target_semaphore(%arg20 : memref<!tpu.dma_semaphore, #tpu.memory_space<semaphore_mem>>)
    %dma_wait3A_69 = arith.constant 1 : i32
    %dma_wait3A_70 = arith.constant 0 : i32
    %dma_wait3A_71 = tpu.memref_slice %arg9[%dma_wait3A_69, %dma_wait3A_70] : memref<2x128xi32, #tpu.memory_space<vmem>> -> memref<1x128xi32, #tpu.memory_space<vmem>>
    %dma_wait3A_72 = tpu.memref_squeeze %dma_wait3A_71 : memref<1x128xi32, #tpu.memory_space<vmem>> -> memref<128xi32, #tpu.memory_space<vmem>>
    %dma_wait3A_73 = arith.constant 0 : i32
    %dma_wait3A_74 = arith.constant 0 : i32
    %dma_wait3A_75 = tpu.memref_slice %arg5[%dma_wait3A_73, %dma_wait3A_74] : memref<16384x128xf32, #tpu.memory_space<hbm>> -> memref<16384x128xf32, #tpu.memory_space<hbm>>
    tpu.wait_indirect_dma semaphore(%arg17 : memref<!tpu.dma_semaphore, #tpu.memory_space<semaphore_mem>>) src(%dma_wait3A_75 : memref<16384x128xf32, #tpu.memory_space<hbm>>) dst(%arg13 : memref<128x128xf32, #tpu.memory_space<vmem>>)
    %add3A_76 = arith.constant 128 : i32
    %add3A_77 = arith.addi %mul3A_2, %add3A_76 : i32
    %dma_start3A_78 = arith.constant 0 : i32
    %dma_start3A_79 = tpu.memref_slice %arg7[%add3A_77, %dma_start3A_78] : memref<8192x128xf32, #tpu.memory_space<hbm>> -> memref<128x128xf32, #tpu.memory_space<hbm>>
    %dma_start3A_80 = arith.constant 0 : i32
    %dma_start3A_81 = tpu.memref_slice %arg7[%add3A_77, %dma_start3A_80] : memref<8192x128xf32, #tpu.memory_space<hbm>> -> memref<128x128xf32, #tpu.memory_space<hbm>>
    tpu.enqueue_dma source(%arg13 : memref<128x128xf32, #tpu.memory_space<vmem>>) target(%dma_start3A_81 : memref<128x128xf32, #tpu.memory_space<hbm>>) target_semaphore(%arg21 : memref<!tpu.dma_semaphore, #tpu.memory_space<semaphore_mem>>)
    %dma_wait3A_82 = arith.constant 0 : i32
    %dma_wait3A_83 = tpu.memref_slice %arg6[%add3A_38, %dma_wait3A_82] : memref<8192x128xf32, #tpu.memory_space<hbm>> -> memref<128x128xf32, #tpu.memory_space<hbm>>
    %dma_wait3A_84 = arith.constant 0 : i32
    %dma_wait3A_85 = tpu.memref_slice %arg6[%add3A_38, %dma_wait3A_84] : memref<8192x128xf32, #tpu.memory_space<hbm>> -> memref<128x128xf32, #tpu.memory_space<hbm>>
    tpu.wait_dma2 semaphore(%arg18 : memref<!tpu.dma_semaphore, #tpu.memory_space<semaphore_mem>>) src(%arg10 : memref<128x128xf32, #tpu.memory_space<vmem>>) dst(%dma_wait3A_85 : memref<128x128xf32, #tpu.memory_space<hbm>>)
    %dma_wait3A_86 = arith.constant 0 : i32
    %dma_wait3A_87 = tpu.memref_slice %arg6[%add3A_51, %dma_wait3A_86] : memref<8192x128xf32, #tpu.memory_space<hbm>> -> memref<128x128xf32, #tpu.memory_space<hbm>>
    %dma_wait3A_88 = arith.constant 0 : i32
    %dma_wait3A_89 = tpu.memref_slice %arg6[%add3A_51, %dma_wait3A_88] : memref<8192x128xf32, #tpu.memory_space<hbm>> -> memref<128x128xf32, #tpu.memory_space<hbm>>
    tpu.wait_dma2 semaphore(%arg19 : memref<!tpu.dma_semaphore, #tpu.memory_space<semaphore_mem>>) src(%arg11 : memref<128x128xf32, #tpu.memory_space<vmem>>) dst(%dma_wait3A_89 : memref<128x128xf32, #tpu.memory_space<hbm>>)
    %dma_wait3A_90 = arith.constant 0 : i32
    %dma_wait3A_91 = tpu.memref_slice %arg7[%add3A_64, %dma_wait3A_90] : memref<8192x128xf32, #tpu.memory_space<hbm>> -> memref<128x128xf32, #tpu.memory_space<hbm>>
    %dma_wait3A_92 = arith.constant 0 : i32
    %dma_wait3A_93 = tpu.memref_slice %arg7[%add3A_64, %dma_wait3A_92] : memref<8192x128xf32, #tpu.memory_space<hbm>> -> memref<128x128xf32, #tpu.memory_space<hbm>>
    tpu.wait_dma2 semaphore(%arg20 : memref<!tpu.dma_semaphore, #tpu.memory_space<semaphore_mem>>) src(%arg12 : memref<128x128xf32, #tpu.memory_space<vmem>>) dst(%dma_wait3A_93 : memref<128x128xf32, #tpu.memory_space<hbm>>)
    %dma_wait3A_94 = arith.constant 0 : i32
    %dma_wait3A_95 = tpu.memref_slice %arg7[%add3A_77, %dma_wait3A_94] : memref<8192x128xf32, #tpu.memory_space<hbm>> -> memref<128x128xf32, #tpu.memory_space<hbm>>
    %dma_wait3A_96 = arith.constant 0 : i32
    %dma_wait3A_97 = tpu.memref_slice %arg7[%add3A_77, %dma_wait3A_96] : memref<8192x128xf32, #tpu.memory_space<hbm>> -> memref<128x128xf32, #tpu.memory_space<hbm>>
    tpu.wait_dma2 semaphore(%arg21 : memref<!tpu.dma_semaphore, #tpu.memory_space<semaphore_mem>>) src(%arg13 : memref<128x128xf32, #tpu.memory_space<vmem>>) dst(%dma_wait3A_97 : memref<128x128xf32, #tpu.memory_space<hbm>>)
    return
  }
}

module attributes {stable_mosaic.version = 14 : i64} {
  func.func @_tc_body_second(%arg0: i32, %arg1: memref<16384x256xf32, #tpu.memory_space<any>>, %arg2: memref<1x1x2048xi32, #tpu.memory_space<vmem>>, %arg3: memref<2048x128xf32, #tpu.memory_space<vmem>>, %arg4: memref<2048x128xf32, #tpu.memory_space<vmem>>, %arg5: memref<32x32xf32, #tpu.memory_space<vmem>>, %arg6: memref<288x256xf32, #tpu.memory_space<vmem>>, %arg7: memref<1x256xf32, #tpu.memory_space<vmem>>, %arg8: memref<1x256xf32, #tpu.memory_space<vmem>>, %arg9: memref<1x256xf32, #tpu.memory_space<vmem>>, %arg10: memref<2048x256xf32, #tpu.memory_space<vmem>>) attributes {dimension_semantics = [#tpu.dimension_semantics<arbitrary>], iteration_bounds = array<i64: 4>, scalar_prefetch = 0 : i64, scratch_operands = 0 : i64, tpu.core_type = #tpu.core_type<tc>, window_params = [{}, {transform_indices = @transform_1, window_bounds = array<i64: 1, 1, 2048>}, {transform_indices = @transform_2, window_bounds = array<i64: 2048, 128>}, {transform_indices = @transform_3, window_bounds = array<i64: 2048, 128>}, {pipeline_mode = #tpu.pipeline_mode<synchronous>, transform_indices = @transform_4, window_bounds = array<i64: 32, 32>}, {pipeline_mode = #tpu.pipeline_mode<synchronous>, transform_indices = @transform_5, window_bounds = array<i64: 288, 256>}, {pipeline_mode = #tpu.pipeline_mode<synchronous>, transform_indices = @transform_6, window_bounds = array<i64: 1, 256>}, {pipeline_mode = #tpu.pipeline_mode<synchronous>, transform_indices = @transform_7, window_bounds = array<i64: 1, 256>}, {pipeline_mode = #tpu.pipeline_mode<synchronous>, transform_indices = @transform_8, window_bounds = array<i64: 1, 256>}, {transform_indices = @transform_9, window_bounds = array<i64: 2048, 256>}]} {
    %get3A = arith.constant 0 : index
    %get3A_0 = arith.constant 0 : index
    %get3A_1 = vector.load %arg3[%get3A, %get3A_0] : memref<2048x128xf32, #tpu.memory_space<vmem>>, vector<2048x128xf32>
    %convert_element_type3A = arith.truncf %get3A_1 : vector<2048x128xf32> to vector<2048x128xbf16>
    %get3A_2 = arith.constant 0 : index
    %get3A_3 = arith.constant 0 : index
    %get3A_4 = vector.load %arg4[%get3A_2, %get3A_3] : memref<2048x128xf32, #tpu.memory_space<vmem>>, vector<2048x128xf32>
    %convert_element_type3A_5 = arith.truncf %get3A_4 : vector<2048x128xf32> to vector<2048x128xbf16>
    %get3A_6 = arith.constant 0 : index
    %get3A_7 = arith.constant 0 : index
    %get3A_8 = arith.constant 0 : index
    %get3A_9 = vector.load %arg2[%get3A_6, %get3A_7, %get3A_8] : memref<1x1x2048xi32, #tpu.memory_space<vmem>>, vector<1x1x2048xi32>
    %get3A_10 = vector.shape_cast %get3A_9 : vector<1x1x2048xi32> to vector<2048xi32>
    %get3A_11 = arith.constant 0 : index
    %get3A_12 = arith.constant 0 : index
    %get3A_13 = vector.load %arg6[%get3A_11, %get3A_12] : memref<288x256xf32, #tpu.memory_space<vmem>>, vector<288x256xf32>
    %convert_element_type3A_14 = arith.truncf %get3A_13 : vector<288x256xf32> to vector<288x256xbf16>
    %broadcast_in_dim3A = vector.shape_cast %get3A_10 : vector<2048xi32> to vector<2048x1xi32>
    %iota3A = tpu.iota {dimensions = array<i32: 1>} : vector<2048x32xi32>
    %eq3A = vector.broadcast %broadcast_in_dim3A : vector<2048x1xi32> to vector<2048x32xi32>
    %eq3A_15 = arith.cmpi eq, %eq3A, %iota3A : vector<2048x32xi32>
    %convert_element_type3A_16 = arith.extui %eq3A_15 : vector<2048x32xi1> to vector<2048x32xi32>
    %convert_element_type3A_17 = arith.sitofp %convert_element_type3A_16 : vector<2048x32xi32> to vector<2048x32xf32>
    %convert_element_type3A_18 = arith.truncf %convert_element_type3A_17 : vector<2048x32xf32> to vector<2048x32xbf16>
    %get3A_19 = arith.constant 0 : index
    %get3A_20 = arith.constant 0 : index
    %get3A_21 = vector.load %arg5[%get3A_19, %get3A_20] : memref<32x32xf32, #tpu.memory_space<vmem>>, vector<32x32xf32>
    %convert_element_type3A_22 = arith.truncf %get3A_21 : vector<32x32xf32> to vector<32x32xbf16>
    %slice3A = vector.extract_strided_slice %convert_element_type3A_14 {offsets = [256, 0], sizes = [32, 256], strides = [1, 1]} : vector<288x256xbf16> to vector<32x256xbf16>
    %dot_general3A = arith.constant dense<0.000000e+00> : vector<32x256xf32>
    %dot_general3A_23 = tpu.matmul %convert_element_type3A_22, %slice3A, %dot_general3A {dimension_numbers = #tpu.dot_dimension_numbers<[1], [0], [0], [1], [0, 0, 1, 1], [], []>, transpose_lhs_hint = false} : vector<32x32xbf16>, vector<32x256xbf16>, vector<32x256xf32> -> vector<32x256xf32>
    %convert_element_type3A_24 = arith.truncf %dot_general3A_23 : vector<32x256xf32> to vector<32x256xbf16>
    %slice3A_25 = vector.extract_strided_slice %convert_element_type3A_14 {offsets = [0, 0], sizes = [128, 256], strides = [1, 1]} : vector<288x256xbf16> to vector<128x256xbf16>
    %dot_general3A_26 = arith.constant dense<0.000000e+00> : vector<2048x256xf32>
    %dot_general3A_27 = tpu.matmul %convert_element_type3A, %slice3A_25, %dot_general3A_26 {dimension_numbers = #tpu.dot_dimension_numbers<[1], [0], [0], [1], [0, 0, 1, 1], [], []>, transpose_lhs_hint = false} : vector<2048x128xbf16>, vector<128x256xbf16>, vector<2048x256xf32> -> vector<2048x256xf32>
    %slice3A_28 = vector.extract_strided_slice %convert_element_type3A_14 {offsets = [128, 0], sizes = [128, 256], strides = [1, 1]} : vector<288x256xbf16> to vector<128x256xbf16>
    %dot_general3A_29 = arith.constant dense<0.000000e+00> : vector<2048x256xf32>
    %dot_general3A_30 = tpu.matmul %convert_element_type3A_5, %slice3A_28, %dot_general3A_29 {dimension_numbers = #tpu.dot_dimension_numbers<[1], [0], [0], [1], [0, 0, 1, 1], [], []>, transpose_lhs_hint = false} : vector<2048x128xbf16>, vector<128x256xbf16>, vector<2048x256xf32> -> vector<2048x256xf32>
    %add3A = arith.addf %dot_general3A_27, %dot_general3A_30 : vector<2048x256xf32>
    %dot_general3A_31 = arith.constant dense<0.000000e+00> : vector<2048x256xf32>
    %dot_general3A_32 = tpu.matmul %convert_element_type3A_18, %convert_element_type3A_24, %dot_general3A_31 {dimension_numbers = #tpu.dot_dimension_numbers<[1], [0], [0], [1], [0, 0, 1, 1], [], []>, transpose_lhs_hint = false} : vector<2048x32xbf16>, vector<32x256xbf16>, vector<2048x256xf32> -> vector<2048x256xf32>
    %add3A_33 = arith.addf %add3A, %dot_general3A_32 : vector<2048x256xf32>
    %get3A_34 = arith.constant 0 : index
    %get3A_35 = arith.constant 0 : index
    %get3A_36 = vector.load %arg7[%get3A_34, %get3A_35] : memref<1x256xf32, #tpu.memory_space<vmem>>, vector<1x256xf32>
    %add3A_37 = vector.broadcast %get3A_36 : vector<1x256xf32> to vector<2048x256xf32>
    %add3A_38 = arith.addf %add3A_33, %add3A_37 : vector<2048x256xf32>
    %reduce_sum3A = arith.constant dense<0.000000e+00> : vector<2048xf32>
    %reduce_sum3A_39 = vector.multi_reduction <add>, %add3A_38, %reduce_sum3A [1] : vector<2048x256xf32> to vector<2048xf32>
    %broadcast_in_dim3A_40 = vector.shape_cast %reduce_sum3A_39 : vector<2048xf32> to vector<2048x1xf32>
    %div3A = arith.constant 2.560000e+02 : f32
    %div3A_41 = vector.broadcast %div3A : f32 to vector<2048x1xf32>
    %div3A_42 = arith.divf %broadcast_in_dim3A_40, %div3A_41 : vector<2048x1xf32>
    %sub3A = vector.broadcast %div3A_42 : vector<2048x1xf32> to vector<2048x256xf32>
    %sub3A_43 = arith.subf %add3A_38, %sub3A : vector<2048x256xf32>
    %integer_pow3A = arith.mulf %sub3A_43, %sub3A_43 : vector<2048x256xf32>
    %reduce_sum3A_44 = arith.constant dense<0.000000e+00> : vector<2048xf32>
    %reduce_sum3A_45 = vector.multi_reduction <add>, %integer_pow3A, %reduce_sum3A_44 [1] : vector<2048x256xf32> to vector<2048xf32>
    %broadcast_in_dim3A_46 = vector.shape_cast %reduce_sum3A_45 : vector<2048xf32> to vector<2048x1xf32>
    %div3A_47 = arith.constant 2.560000e+02 : f32
    %div3A_48 = vector.broadcast %div3A_47 : f32 to vector<2048x1xf32>
    %div3A_49 = arith.divf %broadcast_in_dim3A_46, %div3A_48 : vector<2048x1xf32>
    %sub3A_50 = vector.broadcast %div3A_42 : vector<2048x1xf32> to vector<2048x256xf32>
    %sub3A_51 = arith.subf %add3A_38, %sub3A_50 : vector<2048x256xf32>
    %add3A_52 = arith.constant 1.000000e-03 : f32
    %add3A_53 = vector.broadcast %add3A_52 : f32 to vector<2048x1xf32>
    %add3A_54 = arith.addf %div3A_49, %add3A_53 : vector<2048x1xf32>
    %rsqrt3A = math.rsqrt %add3A_54 : vector<2048x1xf32>
    %mul3A = vector.broadcast %rsqrt3A : vector<2048x1xf32> to vector<2048x256xf32>
    %mul3A_55 = arith.mulf %sub3A_51, %mul3A : vector<2048x256xf32>
    %get3A_56 = arith.constant 0 : index
    %get3A_57 = arith.constant 0 : index
    %get3A_58 = vector.load %arg8[%get3A_56, %get3A_57] : memref<1x256xf32, #tpu.memory_space<vmem>>, vector<1x256xf32>
    %mul3A_59 = vector.broadcast %get3A_58 : vector<1x256xf32> to vector<2048x256xf32>
    %mul3A_60 = arith.mulf %mul3A_55, %mul3A_59 : vector<2048x256xf32>
    %get3A_61 = arith.constant 0 : index
    %get3A_62 = arith.constant 0 : index
    %get3A_63 = vector.load %arg9[%get3A_61, %get3A_62] : memref<1x256xf32, #tpu.memory_space<vmem>>, vector<1x256xf32>
    %add3A_64 = vector.broadcast %get3A_63 : vector<1x256xf32> to vector<2048x256xf32>
    %add3A_65 = arith.addf %mul3A_60, %add3A_64 : vector<2048x256xf32>
    %swap3A = arith.constant 0 : index
    %swap3A_66 = arith.constant 0 : index
    %swap3A_67 = vector.load %arg10[%swap3A, %swap3A_66] : memref<2048x256xf32, #tpu.memory_space<vmem>>, vector<2048x256xf32>
    tpu.vector_store %arg10[%swap3A, %swap3A_66], %add3A_65 {strides = array<i32>} : memref<2048x256xf32, #tpu.memory_space<vmem>>, vector<2048x256xf32>,
    return
  }
  func.func @transform_1(%arg0: i32) -> (i32, i32, i32) {
    %add3A = arith.constant 4 : i32
    %add3A_0 = arith.addi %arg0, %add3A : i32
    %c0_i32 = arith.constant 0 : i32
    %c0_i32_1 = arith.constant 0 : i32
    %c0_i32_2 = arith.constant 0 : i32
    return %add3A_0, %c0_i32, %c0_i32_1 : i32, i32, i32
  }
  func.func @transform_2(%arg0: i32) -> (i32, i32) {
    %c0_i32 = arith.constant 0 : i32
    %c0_i32_0 = arith.constant 0 : i32
    return %arg0, %c0_i32 : i32, i32
  }
  func.func @transform_3(%arg0: i32) -> (i32, i32) {
    %c0_i32 = arith.constant 0 : i32
    %c0_i32_0 = arith.constant 0 : i32
    return %arg0, %c0_i32 : i32, i32
  }
  func.func @transform_4(%arg0: i32) -> (i32, i32) {
    %c0_i32 = arith.constant 0 : i32
    %c0_i32_0 = arith.constant 0 : i32
    %c0_i32_1 = arith.constant 0 : i32
    return %c0_i32, %c0_i32_0 : i32, i32
  }
  func.func @transform_5(%arg0: i32) -> (i32, i32) {
    %c0_i32 = arith.constant 0 : i32
    %c0_i32_0 = arith.constant 0 : i32
    %c0_i32_1 = arith.constant 0 : i32
    return %c0_i32, %c0_i32_0 : i32, i32
  }
  func.func @transform_6(%arg0: i32) -> (i32, i32) {
    %c0_i32 = arith.constant 0 : i32
    %c0_i32_0 = arith.constant 0 : i32
    %c0_i32_1 = arith.constant 0 : i32
    return %c0_i32, %c0_i32_0 : i32, i32
  }
  func.func @transform_7(%arg0: i32) -> (i32, i32) {
    %c0_i32 = arith.constant 0 : i32
    %c0_i32_0 = arith.constant 0 : i32
    %c0_i32_1 = arith.constant 0 : i32
    return %c0_i32, %c0_i32_0 : i32, i32
  }
  func.func @transform_8(%arg0: i32) -> (i32, i32) {
    %c0_i32 = arith.constant 0 : i32
    %c0_i32_0 = arith.constant 0 : i32
    %c0_i32_1 = arith.constant 0 : i32
    return %c0_i32, %c0_i32_0 : i32, i32
  }
  func.func @transform_9(%arg0: i32) -> (i32, i32) {
    %add3A = arith.constant 4 : i32
    %add3A_0 = arith.addi %arg0, %add3A : i32
    %c0_i32 = arith.constant 0 : i32
    %c0_i32_1 = arith.constant 0 : i32
    return %add3A_0, %c0_i32 : i32, i32
  }
}

module attributes {stable_mosaic.version = 14 : i64} {
  func.func @_tc_body_first(%arg0: i32, %arg1: memref<1x1x2048xi32, #tpu.memory_space<vmem>>, %arg2: memref<2048x128xf32, #tpu.memory_space<vmem>>, %arg3: memref<2048x128xf32, #tpu.memory_space<vmem>>, %arg4: memref<32x32xf32, #tpu.memory_space<vmem>>, %arg5: memref<288x256xf32, #tpu.memory_space<vmem>>, %arg6: memref<1x256xf32, #tpu.memory_space<vmem>>, %arg7: memref<1x256xf32, #tpu.memory_space<vmem>>, %arg8: memref<1x256xf32, #tpu.memory_space<vmem>>, %arg9: memref<2048x256xf32, #tpu.memory_space<vmem>>) attributes {dimension_semantics = [#tpu.dimension_semantics<arbitrary>], iteration_bounds = array<i64: 4>, scalar_prefetch = 0 : i64, scratch_operands = 0 : i64, tpu.core_type = #tpu.core_type<tc>, window_params = [{transform_indices = @transform_0, window_bounds = array<i64: 1, 1, 2048>}, {transform_indices = @transform_1, window_bounds = array<i64: 2048, 128>}, {transform_indices = @transform_2, window_bounds = array<i64: 2048, 128>}, {pipeline_mode = #tpu.pipeline_mode<synchronous>, transform_indices = @transform_3, window_bounds = array<i64: 32, 32>}, {pipeline_mode = #tpu.pipeline_mode<synchronous>, transform_indices = @transform_4, window_bounds = array<i64: 288, 256>}, {pipeline_mode = #tpu.pipeline_mode<synchronous>, transform_indices = @transform_5, window_bounds = array<i64: 1, 256>}, {pipeline_mode = #tpu.pipeline_mode<synchronous>, transform_indices = @transform_6, window_bounds = array<i64: 1, 256>}, {pipeline_mode = #tpu.pipeline_mode<synchronous>, transform_indices = @transform_7, window_bounds = array<i64: 1, 256>}, {transform_indices = @transform_8, window_bounds = array<i64: 2048, 256>}]} {
    %get3A = arith.constant 0 : index
    %get3A_0 = arith.constant 0 : index
    %get3A_1 = vector.load %arg2[%get3A, %get3A_0] : memref<2048x128xf32, #tpu.memory_space<vmem>>, vector<2048x128xf32>
    %convert_element_type3A = arith.truncf %get3A_1 : vector<2048x128xf32> to vector<2048x128xbf16>
    %get3A_2 = arith.constant 0 : index
    %get3A_3 = arith.constant 0 : index
    %get3A_4 = vector.load %arg3[%get3A_2, %get3A_3] : memref<2048x128xf32, #tpu.memory_space<vmem>>, vector<2048x128xf32>
    %convert_element_type3A_5 = arith.truncf %get3A_4 : vector<2048x128xf32> to vector<2048x128xbf16>
    %get3A_6 = arith.constant 0 : index
    %get3A_7 = arith.constant 0 : index
    %get3A_8 = arith.constant 0 : index
    %get3A_9 = vector.load %arg1[%get3A_6, %get3A_7, %get3A_8] : memref<1x1x2048xi32, #tpu.memory_space<vmem>>, vector<1x1x2048xi32>
    %get3A_10 = vector.shape_cast %get3A_9 : vector<1x1x2048xi32> to vector<2048xi32>
    %get3A_11 = arith.constant 0 : index
    %get3A_12 = arith.constant 0 : index
    %get3A_13 = vector.load %arg5[%get3A_11, %get3A_12] : memref<288x256xf32, #tpu.memory_space<vmem>>, vector<288x256xf32>
    %convert_element_type3A_14 = arith.truncf %get3A_13 : vector<288x256xf32> to vector<288x256xbf16>
    %broadcast_in_dim3A = vector.shape_cast %get3A_10 : vector<2048xi32> to vector<2048x1xi32>
    %iota3A = tpu.iota {dimensions = array<i32: 1>} : vector<2048x32xi32>
    %eq3A = vector.broadcast %broadcast_in_dim3A : vector<2048x1xi32> to vector<2048x32xi32>
    %eq3A_15 = arith.cmpi eq, %eq3A, %iota3A : vector<2048x32xi32>
    %convert_element_type3A_16 = arith.extui %eq3A_15 : vector<2048x32xi1> to vector<2048x32xi32>
    %convert_element_type3A_17 = arith.sitofp %convert_element_type3A_16 : vector<2048x32xi32> to vector<2048x32xf32>
    %convert_element_type3A_18 = arith.truncf %convert_element_type3A_17 : vector<2048x32xf32> to vector<2048x32xbf16>
    %get3A_19 = arith.constant 0 : index
    %get3A_20 = arith.constant 0 : index
    %get3A_21 = vector.load %arg4[%get3A_19, %get3A_20] : memref<32x32xf32, #tpu.memory_space<vmem>>, vector<32x32xf32>
    %convert_element_type3A_22 = arith.truncf %get3A_21 : vector<32x32xf32> to vector<32x32xbf16>
    %slice3A = vector.extract_strided_slice %convert_element_type3A_14 {offsets = [256, 0], sizes = [32, 256], strides = [1, 1]} : vector<288x256xbf16> to vector<32x256xbf16>
    %dot_general3A = arith.constant dense<0.000000e+00> : vector<32x256xf32>
    %dot_general3A_23 = tpu.matmul %convert_element_type3A_22, %slice3A, %dot_general3A {dimension_numbers = #tpu.dot_dimension_numbers<[1], [0], [0], [1], [0, 0, 1, 1], [], []>, transpose_lhs_hint = false} : vector<32x32xbf16>, vector<32x256xbf16>, vector<32x256xf32> -> vector<32x256xf32>
    %convert_element_type3A_24 = arith.truncf %dot_general3A_23 : vector<32x256xf32> to vector<32x256xbf16>
    %slice3A_25 = vector.extract_strided_slice %convert_element_type3A_14 {offsets = [0, 0], sizes = [128, 256], strides = [1, 1]} : vector<288x256xbf16> to vector<128x256xbf16>
    %dot_general3A_26 = arith.constant dense<0.000000e+00> : vector<2048x256xf32>
    %dot_general3A_27 = tpu.matmul %convert_element_type3A, %slice3A_25, %dot_general3A_26 {dimension_numbers = #tpu.dot_dimension_numbers<[1], [0], [0], [1], [0, 0, 1, 1], [], []>, transpose_lhs_hint = false} : vector<2048x128xbf16>, vector<128x256xbf16>, vector<2048x256xf32> -> vector<2048x256xf32>
    %slice3A_28 = vector.extract_strided_slice %convert_element_type3A_14 {offsets = [128, 0], sizes = [128, 256], strides = [1, 1]} : vector<288x256xbf16> to vector<128x256xbf16>
    %dot_general3A_29 = arith.constant dense<0.000000e+00> : vector<2048x256xf32>
    %dot_general3A_30 = tpu.matmul %convert_element_type3A_5, %slice3A_28, %dot_general3A_29 {dimension_numbers = #tpu.dot_dimension_numbers<[1], [0], [0], [1], [0, 0, 1, 1], [], []>, transpose_lhs_hint = false} : vector<2048x128xbf16>, vector<128x256xbf16>, vector<2048x256xf32> -> vector<2048x256xf32>
    %add3A = arith.addf %dot_general3A_27, %dot_general3A_30 : vector<2048x256xf32>
    %dot_general3A_31 = arith.constant dense<0.000000e+00> : vector<2048x256xf32>
    %dot_general3A_32 = tpu.matmul %convert_element_type3A_18, %convert_element_type3A_24, %dot_general3A_31 {dimension_numbers = #tpu.dot_dimension_numbers<[1], [0], [0], [1], [0, 0, 1, 1], [], []>, transpose_lhs_hint = false} : vector<2048x32xbf16>, vector<32x256xbf16>, vector<2048x256xf32> -> vector<2048x256xf32>
    %add3A_33 = arith.addf %add3A, %dot_general3A_32 : vector<2048x256xf32>
    %get3A_34 = arith.constant 0 : index
    %get3A_35 = arith.constant 0 : index
    %get3A_36 = vector.load %arg6[%get3A_34, %get3A_35] : memref<1x256xf32, #tpu.memory_space<vmem>>, vector<1x256xf32>
    %add3A_37 = vector.broadcast %get3A_36 : vector<1x256xf32> to vector<2048x256xf32>
    %add3A_38 = arith.addf %add3A_33, %add3A_37 : vector<2048x256xf32>
    %reduce_sum3A = arith.constant dense<0.000000e+00> : vector<2048xf32>
    %reduce_sum3A_39 = vector.multi_reduction <add>, %add3A_38, %reduce_sum3A [1] : vector<2048x256xf32> to vector<2048xf32>
    %broadcast_in_dim3A_40 = vector.shape_cast %reduce_sum3A_39 : vector<2048xf32> to vector<2048x1xf32>
    %div3A = arith.constant 2.560000e+02 : f32
    %div3A_41 = vector.broadcast %div3A : f32 to vector<2048x1xf32>
    %div3A_42 = arith.divf %broadcast_in_dim3A_40, %div3A_41 : vector<2048x1xf32>
    %sub3A = vector.broadcast %div3A_42 : vector<2048x1xf32> to vector<2048x256xf32>
    %sub3A_43 = arith.subf %add3A_38, %sub3A : vector<2048x256xf32>
    %integer_pow3A = arith.mulf %sub3A_43, %sub3A_43 : vector<2048x256xf32>
    %reduce_sum3A_44 = arith.constant dense<0.000000e+00> : vector<2048xf32>
    %reduce_sum3A_45 = vector.multi_reduction <add>, %integer_pow3A, %reduce_sum3A_44 [1] : vector<2048x256xf32> to vector<2048xf32>
    %broadcast_in_dim3A_46 = vector.shape_cast %reduce_sum3A_45 : vector<2048xf32> to vector<2048x1xf32>
    %div3A_47 = arith.constant 2.560000e+02 : f32
    %div3A_48 = vector.broadcast %div3A_47 : f32 to vector<2048x1xf32>
    %div3A_49 = arith.divf %broadcast_in_dim3A_46, %div3A_48 : vector<2048x1xf32>
    %sub3A_50 = vector.broadcast %div3A_42 : vector<2048x1xf32> to vector<2048x256xf32>
    %sub3A_51 = arith.subf %add3A_38, %sub3A_50 : vector<2048x256xf32>
    %add3A_52 = arith.constant 1.000000e-03 : f32
    %add3A_53 = vector.broadcast %add3A_52 : f32 to vector<2048x1xf32>
    %add3A_54 = arith.addf %div3A_49, %add3A_53 : vector<2048x1xf32>
    %rsqrt3A = math.rsqrt %add3A_54 : vector<2048x1xf32>
    %mul3A = vector.broadcast %rsqrt3A : vector<2048x1xf32> to vector<2048x256xf32>
    %mul3A_55 = arith.mulf %sub3A_51, %mul3A : vector<2048x256xf32>
    %get3A_56 = arith.constant 0 : index
    %get3A_57 = arith.constant 0 : index
    %get3A_58 = vector.load %arg7[%get3A_56, %get3A_57] : memref<1x256xf32, #tpu.memory_space<vmem>>, vector<1x256xf32>
    %mul3A_59 = vector.broadcast %get3A_58 : vector<1x256xf32> to vector<2048x256xf32>
    %mul3A_60 = arith.mulf %mul3A_55, %mul3A_59 : vector<2048x256xf32>
    %get3A_61 = arith.constant 0 : index
    %get3A_62 = arith.constant 0 : index
    %get3A_63 = vector.load %arg8[%get3A_61, %get3A_62] : memref<1x256xf32, #tpu.memory_space<vmem>>, vector<1x256xf32>
    %add3A_64 = vector.broadcast %get3A_63 : vector<1x256xf32> to vector<2048x256xf32>
    %add3A_65 = arith.addf %mul3A_60, %add3A_64 : vector<2048x256xf32>
    %swap3A = arith.constant 0 : index
    %swap3A_66 = arith.constant 0 : index
    %swap3A_67 = vector.load %arg9[%swap3A, %swap3A_66] : memref<2048x256xf32, #tpu.memory_space<vmem>>, vector<2048x256xf32>
    tpu.vector_store %arg9[%swap3A, %swap3A_66], %add3A_65 {strides = array<i32>} : memref<2048x256xf32, #tpu.memory_space<vmem>>, vector<2048x256xf32>,
    return
  }
  func.func @transform_0(%arg0: i32) -> (i32, i32, i32) {
    %add3A = arith.constant 0 : i32
    %add3A_0 = arith.addi %arg0, %add3A : i32
    %c0_i32 = arith.constant 0 : i32
    %c0_i32_1 = arith.constant 0 : i32
    %c0_i32_2 = arith.constant 0 : i32
    return %add3A_0, %c0_i32, %c0_i32_1 : i32, i32, i32
  }
  func.func @transform_1(%arg0: i32) -> (i32, i32) {
    %c0_i32 = arith.constant 0 : i32
    %c0_i32_0 = arith.constant 0 : i32
    return %arg0, %c0_i32 : i32, i32
  }
  func.func @transform_2(%arg0: i32) -> (i32, i32) {
    %c0_i32 = arith.constant 0 : i32
    %c0_i32_0 = arith.constant 0 : i32
    return %arg0, %c0_i32 : i32, i32
  }
  func.func @transform_3(%arg0: i32) -> (i32, i32) {
    %c0_i32 = arith.constant 0 : i32
    %c0_i32_0 = arith.constant 0 : i32
    %c0_i32_1 = arith.constant 0 : i32
    return %c0_i32, %c0_i32_0 : i32, i32
  }
  func.func @transform_4(%arg0: i32) -> (i32, i32) {
    %c0_i32 = arith.constant 0 : i32
    %c0_i32_0 = arith.constant 0 : i32
    %c0_i32_1 = arith.constant 0 : i32
    return %c0_i32, %c0_i32_0 : i32, i32
  }
  func.func @transform_5(%arg0: i32) -> (i32, i32) {
    %c0_i32 = arith.constant 0 : i32
    %c0_i32_0 = arith.constant 0 : i32
    %c0_i32_1 = arith.constant 0 : i32
    return %c0_i32, %c0_i32_0 : i32, i32
  }
  func.func @transform_6(%arg0: i32) -> (i32, i32) {
    %c0_i32 = arith.constant 0 : i32
    %c0_i32_0 = arith.constant 0 : i32
    %c0_i32_1 = arith.constant 0 : i32
    return %c0_i32, %c0_i32_0 : i32, i32
  }
  func.func @transform_7(%arg0: i32) -> (i32, i32) {
    %c0_i32 = arith.constant 0 : i32
    %c0_i32_0 = arith.constant 0 : i32
    %c0_i32_1 = arith.constant 0 : i32
    return %c0_i32, %c0_i32_0 : i32, i32
  }
  func.func @transform_8(%arg0: i32) -> (i32, i32) {
    %c0_i32 = arith.constant 0 : i32
    %c0_i32_0 = arith.constant 0 : i32
    return %arg0, %c0_i32 : i32, i32
  }
}

</mosaic_0001>

<sc_bundles>
// kernel: kernel.6.cloned.1.call-start
scs
__scs_entry_jumppad:
0x0: {  	(pc) =	sbr.rel $0x88, $3  }
0x1: {  	(tag) =	ssettag $0x0;
	lr =	simm.s32 $0x1  }
0x2: {  	[smem:$0x3F97] =	sst lr;
	_ =	strace $0xD0000000  }
0x3: {  	_ = 	snop  }
0x4: {  	_ = 	snop  }
0x5: {  	_ = 	snop  }
0x6: {  	_ = 	snop  }
0x7: {  	_ = 	snop  }
__scs_overlays_trampoline_lowered:
0x8: {  	[smem:$0x3FA6] =	sst s0  }
0x9: {  	[smem:$0x3FA7] =	sst s1  }
0xa: {  	[smem:$0x3FA8] =	sst s2  }
0xb: {  	[smem:$0x3FA9] =	sst s3  }
0xc: {  	[smem:$0x3FAA] =	sst s4  }
0xd: {  	[smem:$0x3FAB] =	sst s5  }
0xe: {  	[smem:$0x3FAC] =	sst s6  }
0xf: {  	[smem:$0x3FAD] =	sst s7  }
0x10: {  	[smem:$0x3FAE] =	sst s8  }
0x11: {  	[smem:$0x3FAF] =	sst s9;
	s0 =	simm.s32 @!p0 $0x0  }
0x12: {  	s1 =	sld [smem:$0x3F95];
	s0 =	simm.s32 @p0 $0x1  }
0x13: {  	[smem:$0x3FB0] =	sst s0;
	s0 =	simm.s32 @!p1 $0x0  }
0x14: {  	s2 =	sld [smem:$0x3F94];
	s0 =	simm.s32 @p1 $0x1  }
0x15: {  	[smem:$0x3FB1] =	sst s0;
	s0 =	simm.s32 @!p2 $0x0  }
0x16: {  	s3 =	sld [smem:$0x3FDB];
	s0 =	simm.s32 @p2 $0x1  }
0x17: {  	s4 =	simm.s32 $0x1BF5;
	[smem:$0x3FB3] =	sst s0  }
0x18: {  	s0 =	sld [smem:$0x3F96];
	_ =	swait.ge [sflag:s4], $0x0  }
0x19: {  	s7 =	sld [smem:$0x3F97]  }
0x1a: {  	s8 =	sadd.s32 $0xFFFFE003, lr  }
0x1b: {  	s9 =	sadd.s32 $0xFFFFFEF7, lr;
	s5 =	simm.s32 $0xFFFFFFFF;
	p2 =	slt.u32 s8, $0xFFFFF086  }
0x1c: {  	p1 =	slt.u32 s9, $0xF7A;
	s5 =	simm.s32 @!p2 $0x0  }
0x1d: {  	s5 =	simm.s32 @p1 $0x1;
	p0 =	seq.s32 s7, s2  }
0x1e: {  	s7 =	smul.u32 @!p0 $0xF7A, s2;
	p2 =	seq.s32 @!p0 s5, $0x0  }
0x1f: {  	s9 =	smul.u32 $0xF7A, s1;
	s8 =	simm.s32 @!p0 $0x1BF5;
	p2 =	por !p2, p0  }
0x20: {  	[sflag:s8] =	ssyncset.s32 @!p0 $0xFFFFF086;
	s6 =	sadd.s32 @!p0 s3, s7;
	s7 =	simm.s32 @!p0 $0x108  }
0x21: {  	s3 =	sadd.s32 s3, s9;
	s6 =	sadd.s32 @!p0 $0x88, s6;
	s7 =	simm.s32 @p2 $0x1082  }
0x22: {  	[simem:s7], [sflag:s8] =	dma.local @!p0 [hbm:s6], $0xF7A  }
0x23: {  	s9 =	sor.u32 $0xD0000000, s2;
	s6 =	simm.s32 $0x108;
	_ =	swait.ge @!p0 [sflag:s8], $0x0  }
0x24: {  	s3 =	sadd.s32 $0x88, s3;
	s6 =	simm.s32 @!p1 $0x1082;
	[sflag:s4] =	ssyncset.s32 $0xFFFFF086  }
0x25: {  	[simem:s6], [sflag:s4] =	dma.local [hbm:s3], $0xF7A  }
0x26: {  	[smem:$0x3F97] =	sst s1;
	(tag) =	ssettag s2;
	_ =	strace s9  }
0x27: {  	s1 =	sld [smem:$0x3FA7]  }
0x28: {  	s2 =	sld [smem:$0x3FA8]  }
0x29: {  	s4 =	sld [smem:$0x3FAA]  }
0x2a: {  	p0 =	seq.s32 s5, $0x0;
	s5 =	sld [smem:$0x3FAB]  }
0x2b: {  	s6 =	sld [smem:$0x3FAC]  }
0x2c: {  	s7 =	sld [smem:$0x3FAD]  }
0x2d: {  	s3 =	simm.s32 $0x108;
	s8 =	sld [smem:$0x3FAE]  }
0x2e: {  	s3 =	simm.s32 @!p0 $0x1082;
	s9 =	sld [smem:$0x3FAF]  }
0x2f: {  	lr =	sadd.s32 s0, s3;
	s0 =	sld [smem:$0x3FA6]  }
0x30: {  	s3 =	sld [smem:$0x3FA9]  }
0x31: {  	[smem:$0x3FB2] =	sst s10  }
0x32: {  	s10 =	sld [smem:$0x3FB0];
	_ =	sdelay $0x3  }
0x33: {  	p0 =	seq.s32 s10, $0x1;
	s10 =	sld [smem:$0x3FB2];
	_ =	sdelay $0x3  }
0x34: {  	[smem:$0x3FB2] =	sst s10  }
0x35: {  	s10 =	sld [smem:$0x3FB1];
	_ =	sdelay $0x3  }
0x36: {  	p1 =	seq.s32 s10, $0x1;
	s10 =	sld [smem:$0x3FB2];
	_ =	sdelay $0x3  }
0x37: {  	[smem:$0x3FB2] =	sst s10  }
0x38: {  	s10 =	sld [smem:$0x3FB3]  }
0x39: {  	_ = 	snop;
	(pc) =	sbr.ind lr, $3  }
0x3a: {  	_ = 	snop  }
0x3b: {  	_ = 	snop  }
0x3c: {  	p2 =	seq.s32 s10, $0x1;
	s10 =	sld [smem:$0x3FB2]  }
0x3d: {  	_ =	shalt  }
0x3e: {  	_ =	shalt  }
0x3f: {  	_ =	shalt  }
0x40: {  	_ =	shalt  }
0x41: {  	_ =	shalt  }
0x42: {  	_ =	shalt  }
0x43: {  	_ =	shalt  }
0x44: {  	_ =	shalt  }
0x45: {  	_ =	shalt  }
0x46: {  	_ =	shalt  }
0x47: {  	_ =	shalt  }
0x48: {  	_ =	shalt  }
0x49: {  	_ =	shalt  }
0x4a: {  	_ =	shalt  }
0x4b: {  	_ =	shalt  }
0x4c: {  	_ =	shalt  }
0x4d: {  	_ =	shalt  }
0x4e: {  	_ =	shalt  }
0x4f: {  	_ =	shalt  }
0x50: {  	_ =	shalt  }
0x51: {  	_ =	shalt  }
0x52: {  	_ =	shalt  }
0x53: {  	_ =	shalt  }
0x54: {  	_ =	shalt  }
0x55: {  	_ =	shalt  }
0x56: {  	_ =	shalt  }
0x57: {  	_ =	shalt  }
0x58: {  	_ =	shalt  }
0x59: {  	_ =	shalt  }
0x5a: {  	_ =	shalt  }
0x5b: {  	_ =	shalt  }
0x5c: {  	_ =	shalt  }
0x5d: {  	_ =	shalt  }
0x5e: {  	_ =	shalt  }
0x5f: {  	_ =	shalt  }
0x60: {  	_ =	shalt  }
0x61: {  	_ =	shalt  }
0x62: {  	_ =	shalt  }
0x63: {  	_ =	shalt  }
0x64: {  	_ =	shalt  }
0x65: {  	_ =	shalt  }
0x66: {  	_ =	shalt  }
0x67: {  	_ =	shalt  }
0x68: {  	_ =	shalt  }
0x69: {  	_ =	shalt  }
0x6a: {  	_ =	shalt  }
0x6b: {  	_ =	shalt  }
0x6c: {  	_ =	shalt  }
0x6d: {  	_ =	shalt  }
0x6e: {  	_ =	shalt  }
0x6f: {  	_ =	shalt  }
0x70: {  	_ =	shalt  }
0x71: {  	_ =	shalt  }
0x72: {  	_ =	shalt  }
0x73: {  	_ =	shalt  }
0x74: {  	_ =	shalt  }
0x75: {  	_ =	shalt  }
0x76: {  	_ =	shalt  }
0x77: {  	_ =	shalt  }
0x78: {  	_ =	shalt  }
0x79: {  	_ =	shalt  }
0x7a: {  	_ =	shalt  }
0x7b: {  	_ =	shalt  }
0x7c: {  	_ =	shalt  }
0x7d: {  	_ =	shalt  }
0x7e: {  	_ =	shalt  }
0x7f: {  	_ =	shalt  }
0x80: {  	_ =	shalt  }
0x81: {  	_ =	shalt  }
0x82: {  	_ =	shalt  }
0x83: {  	_ =	shalt  }
0x84: {  	_ =	shalt  }
0x85: {  	_ =	shalt  }
0x86: {  	_ =	shalt  }
0x87: {  	_ =	shalt  }
.Lfunc_end0:
.L_simem_size_0:
called_computation_lowered:
.L_overlay_start_0:
0x88: {  	s2 =	sld [smem:$0x3FD9]  }
0x89: {  	s3 =	sld [smem:$0x3FFE];
	_ =	sdelay $0x1  }
0x8a: {  	s1 =	srdreg.scid  }
0x8b: {  	s0 =	sand.u32 $0x1, s1  }
0x8c: {  	s17 =	sshll.u32 s0, $0xA;
	s2 =	sadd.s32 s3, s2  }
0x8d: {  	s2 =	sadd.s32 s2, s17  }
0x8e: {  	[smem:$0x3FBE] =	sst s2  }
0x8f: {  	_ = 	snop  }
0x90: {  	s2 =	sld [smem:$0x3FC9]  }
0x91: {  	s18 =	sld [smem:$0x3FC8]  }
0x92: {  	s4 =	sld [smem:$0x3FC6]  }
0x93: {  	s5 =	sld [smem:$0x3FC5]  }
0x94: {  	s6 =	sld [smem:$0x3FD0];
	(tm) =	ssettm $0x1  }
0x95: {  	s7 =	sld [smem:$0x3FFB];
	_ =	sdelay $0x3  }
0x96: {  	_ =	strace s7  }
0x97: {  	s7 =	sld [smem:$0x3FFC];
	_ =	sdelay $0x3  }
0x98: {  	_ =	strace s7  }
0x99: {  	s7 =	sld [smem:$0x3FFD];
	_ =	sdelay $0x3  }
0x9a: {  	_ =	strace s7  }
0x9b: {  	_ =	strace $0x8FFFFFFF  }
0x9c: {  	s19 =	sld [smem:$0x3FDB];
	_ =	sdelay $0x1  }
0x9d: {  	s8 =	simm.s32 $_scs_section_size  }
0x9e: {  	s9 =	simm.s32 $_size__tile_overlayer_lowered;
	s10 =	simm.s32 $_tile_overlayer_lowered  }
0x9f: {  	s22 =	simm.s32 $0x1BFF;
	s21 =	sshll.u32 s10, $0x1;
	s7 =	sadd.s32 s8, s19  }
0xa0: {  	s11 =	simm.s32 $0x0;
	s20 =	sshll.u32 s9, $0x1;
	s9 =	sadd.s32 s21, s7  }
0xa1: {  	[timem:s11], [sflag:s22] =	dma.local [hbm:s9], s20  }
0xa2: {  	_ =	swait.ge [sflag:s22], s20  }
0xa3: {  	s8 =	ssub.s32 $0x0, s20;
	[sflag:s22] =	ssyncset.done $0x0  }
0xa4: {  	[sflag:s22] =	ssyncadd.s32 s8;
	_ =	sdelay $0x1  }
0xa5: {  	s23 =	simm.s32 $0x1B8B  }
0xa6: {  	_ =	swait.ge [sflag:s23], $0x1  }
0xa7: {  	[sflag:s23] =	ssyncset.done $0x0  }
0xa8: {  	s25 =	simm.s32 $0x1B8E;
	s24 =	sld [smem:$0x3FFE];
	[sflag:s23] =	ssyncadd.s32 $0xFFFFFFFF  }
0xa9: {  	s26 =	simm.s32 $execute0_lowered;
	[smem:$0x3FD2] =	sst s25  }
0xaa: {  	s9 =	sshll.u32 s26, $0x1;
	_ =	strace $0x80000046;
	[dreg:$0x1] =	wrdreg $0xFFFFFFFF  }
0xab: {  	s28 =	simm.s32 $_size_execute0_lowered;
	s7 =	sadd.s32 s7, s9;
	[dreg:$0x0] =	wrdreg $0x0  }
0xac: {  	s9 =	sshll.u32 s28, $0x1;
	[dreg:$0x2] =	wrdreg s7  }
0xad: {  	[dreg:$0x3] =	wrdreg s9  }
0xae: {  	[dreg:$0x4] =	wrdreg $0xC0  }
0xaf: {  	_ =	task [dreg:s11], $0x5FFFF  }
0xb0: {  	[dreg:$0x1] =	wrdreg $0xFFFFFFFF  }
0xb1: {  	[dreg:$0x0] =	wrdreg $0x60  }
0xb2: {  	[dreg:$0x2] =	wrdreg s2  }
0xb3: {  	[dreg:$0x3] =	wrdreg s18  }
0xb4: {  	[dreg:$0x4] =	wrdreg s4  }
0xb5: {  	[dreg:$0x5] =	wrdreg s5  }
0xb6: {  	[dreg:$0x6] =	wrdreg s6  }
0xb7: {  	[dreg:$0x7] =	wrdreg s24  }
0xb8: {  	[dreg:$0x8] =	wrdreg $0x9  }
0xb9: {  	_ =	task.clear_ibuf [dreg:s11], $0x9FFFF;
	_ =	strace $0x90000046  }
0xba: {  	s29 =	simm.s32 $0x9;
	_ =	strace $0x80000048  }
0xbb: {  	_ =	swait.ge [sflag:s29], $0x1  }
0xbc: {  	[sflag:s29] =	ssyncadd.s32 $0xFFFFFFFF  }
0xbd: {  	_ =	strace $0x90000048  }
0xbe: {  	_ =	sfence  }
0xbf: {  	s30 =	sld [smem:$0x0];
	_ =	sdelay $0x2  }
0xc0: {  	s31 =	sshll.u32 s1, $0xD;
	s1 =	sshrl.u32 s1, $0x2  }
0xc1: {  	s3 =	sand.u32 $0x4000, s31;
	s1 =	sadd.s32 s1, s30  }
0xc2: {  	s0 =	sor.u32 s3, s0;
	s1 =	sshll.u32 s1, $0x11  }
0xc3: {  	s0 =	sor.u32 s1, s0  }
0xc4: {  	s0 =	sadd.s32 $0x8F2B, s0  }
0xc5: {  	[sflag:s0] =	ssyncadd.remote.s32 $0x1  }
0xc6: {  	_ =	sfence.sel $0xFFFF  }
0xc7: {  	[dreg:$0x0] =	wrdreg $0xFFFFFFFF;
	(pc) =	sbr.abs _section_cstart, $3  }
0xc8: {  	[dreg:$0x1] =	wrdreg $0xFFFFFFFF  }
0xc9: {  	_ =	task.clear_ibuf [dreg:s11], $0x2FFFF;
	_ =	strace $0x9FFFFFFF  }
0xca: {  	(tm) =	ssettm $0x7FFFFFFF  }
0xcb: {  	_ =	shalt  }
tec
execute0_lowered:
.L_overlay_start_1:
0x0: {  	(tag) =	ssettag $0x1  }
0x1: {  	s5 =	rddreg [dreg:$0x0]  }
0x2: {  	s7 =	rddreg [dreg:$0x1]  }
0x3: {  	s1 =	rddreg [dreg:$0x2]  }
0x4: {  	s2 =	rddreg [dreg:$0x3];
	s3 =	srdreg.scid  }
0x5: {  	s18 =	rddreg [dreg:$0x4];
	s0 =	stileid.u32;
	s25 =	sand.u32 $0x1, s3  }
0x6: {  	s20 =	rddreg [dreg:$0x5];
	s6 =	sshll.u32 s0, $0x9;
	s8 =	sshll.u32 s25, $0x8  }
0x7: {  	s4 =	simm.s32 $0x0;
	s3 =	rddreg [dreg:$0x6];
	s16 =	sor.u32 s8, s6  }
0x8: {  	[smem:$0x7FF] =	sst s4;
	s8 =	sshrl.u32 s16, $0x3  }
0x9: {  	_ =	strace $0x80000047;
	s6 =	simm.s32 $0x9;
	s5 =	sadd.s32 s5, s8  }
0xa: {  	[tilespmem:s4], [sflag:$0x9] =	stream.linear.gather [hbm4b:s5+s4], $0x100, $0x38;
	[tilespmem:$0x10200] =	vst v63  }
0xb: {  	_ =	swait.ge [sflag:s6], $0x100  }
0xc: {  	[sflag:s6] =	ssyncset.done $0x0  }
0xd: {  	s7 =	sadd.s32 s7, s8;
	s8 =	simm.s32 $0x100;
	[sflag:s6] =	ssyncadd.s32 $0xFFFFFF00  }
0xe: {  	[tilespmem:s8], [sflag:$0x9] =	stream.linear.gather [hbm4b:s7+s4], $0x100, $0x38;
	[tilespmem:$0x10200] =	vst v63  }
0xf: {  	_ =	swait.ge [sflag:s6], $0x100  }
0x10: {  	[sflag:s6] =	ssyncset.done $0x0  }
0x11: {  	s9 =	simm.s32 $0x80;
	s10 =	simm.s32 $0x200;
	[sflag:s6] =	ssyncadd.s32 $0xFFFFFF00  }
0x12: {  	[tilespmem:s10], [sflag:$0x1] =	stream.indirect.gather [hbm4b:s1+s9], $0x80, s4, s9, $0xb8;
	[tilespmem:$0x10200] =	vst v63  }
0x13: {  	s11 =	simm.s32 $0x4200  }
0x14: {  	[tilespmem:s11], [sflag:$0x2] =	stream.indirect.gather [hbm4b:s1+s9], $0x80, s9, s9, $0xb8;
	[tilespmem:$0x10200] =	vst v63  }
0x15: {  	s12 =	simm.s32 $0x8200  }
0x16: {  	[tilespmem:s12], [sflag:$0x3] =	stream.indirect.gather [hbm4b:s2+s9], $0x80, s8, s9, $0xb8;
	[tilespmem:$0x10200] =	vst v63  }
0x17: {  	s13 =	simm.s32 $0x180;
	s14 =	simm.s32 $0xC200;
	s15 =	simm.s32 $0x1  }
0x18: {  	[tilespmem:s14], [sflag:$0x4] =	stream.indirect.gather [hbm4b:s2+s9], $0x80, s13, s9, $0xb8;
	[tilespmem:$0x10200] =	vst v63  }
0x19: {  	_ =	swait.ge [sflag:s15], $0x4000  }
0x1a: {  	s21 =	sshll.u32 s16, $0x4;
	[sflag:s15] =	ssyncset.done $0x0  }
0x1b: {  	s17 =	simm.s32 $0x2;
	s16 =	sadd.s32 s18, s21;
	[sflag:s15] =	ssyncadd.s32 $0xFFFFC000  }
0x1c: {  	[hbm4b:s16+s4] =	stream.linear.scatter [tilespmem:s10], [sflag:$0x5], $0x4000, $0x38;
	[tilespmem:$0x10200] =	vst v63  }
0x1d: {  	_ =	swait.ge [sflag:s17], $0x4000  }
0x1e: {  	s22 =	sor.u32 $0x800, s21;
	[sflag:s17] =	ssyncset.done $0x0  }
0x1f: {  	s19 =	simm.s32 $0x3;
	s18 =	sadd.s32 s18, s22;
	[sflag:s17] =	ssyncadd.s32 $0xFFFFC000  }
0x20: {  	[hbm4b:s18+s4] =	stream.linear.scatter [tilespmem:s11], [sflag:$0x6], $0x4000, $0x38;
	[tilespmem:$0x10200] =	vst v63  }
0x21: {  	_ =	swait.ge [sflag:s19], $0x4000  }
0x22: {  	s23 =	sadd.s32 $0x2400, s20;
	[sflag:s19] =	ssyncset.done $0x0  }
0x23: {  	s20 =	sadd.s32 s23, s21;
	s21 =	simm.s32 $0x4;
	[sflag:s19] =	ssyncadd.s32 $0xFFFFC000  }
0x24: {  	[hbm4b:s20+s4] =	stream.linear.scatter [tilespmem:s12], [sflag:$0x7], $0x4000, $0x38;
	[tilespmem:$0x10200] =	vst v63  }
0x25: {  	_ =	swait.ge [sflag:s21], $0x4000  }
0x26: {  	[sflag:s21] =	ssyncset.done $0x0  }
0x27: {  	s22 =	sadd.s32 s23, s22;
	s23 =	simm.s32 $0x5;
	[sflag:s21] =	ssyncadd.s32 $0xFFFFC000  }
0x28: {  	[hbm4b:s22+s4] =	stream.linear.scatter [tilespmem:s14], [sflag:$0x8], $0x4000, $0x38;
	[tilespmem:$0x10200] =	vst v63  }
0x29: {  	_ =	swait.ge [sflag:s23], $0x4000  }
0x2a: {  	s26 =	ssub.s32 $0x2, s25;
	[sflag:s23] =	ssyncset.done $0x0  }
0x2b: {  	s24 =	simm.s32 $0x6;
	s28 =	sshrl.u32 s26, $0x1;
	[sflag:s23] =	ssyncadd.s32 $0xFFFFC000  }
0x2c: {  	s26 =	ssub.s32 s26, s28;
	_ =	swait.ge [sflag:s24], $0x4000  }
0x2d: {  	s28 =	smax.u32 s26, $0x1;
	[sflag:s24] =	ssyncset.done $0x0  }
0x2e: {  	s25 =	simm.s32 $0x7;
	p0 =	sne.s32 s28, $0x1;
	[sflag:s24] =	ssyncadd.s32 $0xFFFFC000  }
.Ltmp0:
0x2f: {  	_ =	swait.ge [sflag:s25], $0x4000;
	(pc) =	sbr.rel @!p0 .LBB2_2-.Ltmp0, $4  }
0x30: {  	[sflag:s25] =	ssyncset.done $0x0  }
0x31: {  	s26 =	simm.s32 $0x8;
	[sflag:s25] =	ssyncadd.s32 $0xFFFFC000  }
0x32: {  	_ =	swait.ge [sflag:s26], $0x4000  }
0x33: {  	s28 =	sadd.s32 $0xFFFFFFFF, s28;
	[sflag:s26] =	ssyncset.done $0x0  }
.LBB2_1:
0x34: {  	p0 =	sne.s32 s28, $0x1;
	s28 =	sadd.s32 $0xFFFFFFFF, s28;
	[sflag:s26] =	ssyncadd.s32 $0xFFFFC000  }
0x35: {  	[tilespmem:s4], [sflag:$0x9] =	stream.linear.gather [hbm4b:s5+s4], $0x100, $0x38;
	[tilespmem:$0x10200] =	vst v63  }
0x36: {  	_ =	swait.ge [sflag:s6], $0x100  }
0x37: {  	[sflag:s6] =	ssyncset.done $0x0  }
0x38: {  	[sflag:s6] =	ssyncadd.s32 $0xFFFFFF00  }
0x39: {  	[tilespmem:s8], [sflag:$0x9] =	stream.linear.gather [hbm4b:s7+s4], $0x100, $0x38;
	[tilespmem:$0x10200] =	vst v63  }
0x3a: {  	_ =	swait.ge [sflag:s6], $0x100  }
0x3b: {  	[sflag:s6] =	ssyncset.done $0x0  }
0x3c: {  	[sflag:s6] =	ssyncadd.s32 $0xFFFFFF00  }
0x3d: {  	[tilespmem:s10], [sflag:$0x1] =	stream.indirect.gather [hbm4b:s1+s9], $0x80, s4, s9, $0xb8;
	[tilespmem:$0x10200] =	vst v63  }
0x3e: {  	_ = 	snop  }
0x3f: {  	[tilespmem:s11], [sflag:$0x2] =	stream.indirect.gather [hbm4b:s1+s9], $0x80, s9, s9, $0xb8;
	[tilespmem:$0x10200] =	vst v63  }
0x40: {  	_ = 	snop  }
0x41: {  	[tilespmem:s12], [sflag:$0x3] =	stream.indirect.gather [hbm4b:s2+s9], $0x80, s8, s9, $0xb8;
	[tilespmem:$0x10200] =	vst v63  }
0x42: {  	_ = 	snop  }
0x43: {  	[tilespmem:s14], [sflag:$0x4] =	stream.indirect.gather [hbm4b:s2+s9], $0x80, s13, s9, $0xb8;
	[tilespmem:$0x10200] =	vst v63  }
0x44: {  	_ =	swait.ge [sflag:s15], $0x4000  }
0x45: {  	[sflag:s15] =	ssyncset.done $0x0  }
0x46: {  	[sflag:s15] =	ssyncadd.s32 $0xFFFFC000  }
0x47: {  	[hbm4b:s16+s4] =	stream.linear.scatter [tilespmem:s10], [sflag:$0x5], $0x4000, $0x38;
	[tilespmem:$0x10200] =	vst v63  }
0x48: {  	_ =	swait.ge [sflag:s17], $0x4000  }
0x49: {  	[sflag:s17] =	ssyncset.done $0x0  }
0x4a: {  	[sflag:s17] =	ssyncadd.s32 $0xFFFFC000  }
0x4b: {  	[hbm4b:s18+s4] =	stream.linear.scatter [tilespmem:s11], [sflag:$0x6], $0x4000, $0x38;
	[tilespmem:$0x10200] =	vst v63  }
0x4c: {  	_ =	swait.ge [sflag:s19], $0x4000  }
0x4d: {  	[sflag:s19] =	ssyncset.done $0x0  }
0x4e: {  	[sflag:s19] =	ssyncadd.s32 $0xFFFFC000  }
0x4f: {  	[hbm4b:s20+s4] =	stream.linear.scatter [tilespmem:s12], [sflag:$0x7], $0x4000, $0x38;
	[tilespmem:$0x10200] =	vst v63  }
0x50: {  	_ =	swait.ge [sflag:s21], $0x4000  }
0x51: {  	[sflag:s21] =	ssyncset.done $0x0  }
0x52: {  	[sflag:s21] =	ssyncadd.s32 $0xFFFFC000  }
0x53: {  	[hbm4b:s22+s4] =	stream.linear.scatter [tilespmem:s14], [sflag:$0x8], $0x4000, $0x38;
	[tilespmem:$0x10200] =	vst v63  }
0x54: {  	_ =	swait.ge [sflag:s23], $0x4000  }
0x55: {  	[sflag:s23] =	ssyncset.done $0x0  }
0x56: {  	[sflag:s23] =	ssyncadd.s32 $0xFFFFC000  }
0x57: {  	_ =	swait.ge [sflag:s24], $0x4000  }
0x58: {  	[sflag:s24] =	ssyncset.done $0x0  }
0x59: {  	[sflag:s24] =	ssyncadd.s32 $0xFFFFC000  }
.Ltmp1:
0x5a: {  	_ =	swait.ge [sflag:s25], $0x4000;
	(pc) =	sbr.rel @p0 .LBB2_1-.Ltmp1, $4  }
0x5b: {  	[sflag:s25] =	ssyncset.done $0x0  }
0x5c: {  	[sflag:s25] =	ssyncadd.s32 $0xFFFFC000  }
0x5d: {  	_ =	swait.ge [sflag:s26], $0x4000  }
0x5e: {  	[sflag:s26] =	ssyncset.done $0x0  }
.LBB2_2:
0x5f: {  	[sflag:s26] =	ssyncadd.s32 $0xFFFFC000  }
0x60: {  	_ =	sfence.sel $0x180000  }
0x61: {  	[bflag:$0x0] =	sbarrier.arrive $0xFFFF  }
0x62: {  	p0 =	sne.s32 s0, $0x0;
	_ =	strace $0x90000047  }
0x63: {  	s0 =	sadd.s32 @!p0 $0x100000, s3;
	[bflag:$0x2] =	sbarrier.arrive $0xFFFF  }
0x64: {  	[sflag:s0] =	ssyncadd.tile.s32 @!p0 $0x1;
	_ =	shalt  }
.Lfunc_end2:
_tile_overlayer_lowered:
.L_overlay_start_2:
0x65: {  	(tag) =	ssettag $0x2  }
0x66: {  	s0 =	rddreg [dreg:$0x0];
	s2 =	stileid.u32  }
0x67: {  	s1 =	rddreg [dreg:$0x1];
	p0 =	sne.s32 s2, $0x0  }
0x68: {  	s3 =	rddreg [dreg:$0x2];
	[bflag:$0x3] =	sbarrier.arrive $0xFFFF;
	s2 =	simm.s32 @!p0 $0x1C09  }
0x69: {  	[timem:s3], [sflag:s2] =	dma.local @!p0 [hbm:s0], s1  }
0x6a: {  	s0 =	simm.s32 @!p0 $0x9  }
0x6b: {  	_ =	swait.ge @!p0 [sflag:s0], s1  }
0x6c: {  	s1 =	ssub.s32 @!p0 $0x0, s1;
	[sflag:s0] =	ssyncset.done @!p0 $0x0  }
0x6d: {  	[sflag:s0] =	ssyncadd.s32 @!p0 s1  }
0x6e: {  	[bflag:$0x3] =	sbarrier.arrive $0xFFFF  }
0x6f: {  	_ =	shalt  }

// kernel: kernel.9.cloned.1.call-start
scs
__scs_entry_jumppad:
0x0: {  	(pc) =	sbr.rel $0x88, $3  }
0x1: {  	(tag) =	ssettag $0x0;
	lr =	simm.s32 $0x1  }
0x2: {  	[smem:$0x3F97] =	sst lr;
	_ =	strace $0xD0000000  }
0x3: {  	_ = 	snop  }
0x4: {  	_ = 	snop  }
0x5: {  	_ = 	snop  }
0x6: {  	_ = 	snop  }
0x7: {  	_ = 	snop  }
__scs_overlays_trampoline_lowered:
0x8: {  	[smem:$0x3FA6] =	sst s0  }
0x9: {  	[smem:$0x3FA7] =	sst s1  }
0xa: {  	[smem:$0x3FA8] =	sst s2  }
0xb: {  	[smem:$0x3FA9] =	sst s3  }
0xc: {  	[smem:$0x3FAA] =	sst s4  }
0xd: {  	[smem:$0x3FAB] =	sst s5  }
0xe: {  	[smem:$0x3FAC] =	sst s6  }
0xf: {  	[smem:$0x3FAD] =	sst s7  }
0x10: {  	[smem:$0x3FAE] =	sst s8  }
0x11: {  	[smem:$0x3FAF] =	sst s9;
	s0 =	simm.s32 @!p0 $0x0  }
0x12: {  	s1 =	sld [smem:$0x3F95];
	s0 =	simm.s32 @p0 $0x1  }
0x13: {  	[smem:$0x3FB0] =	sst s0;
	s0 =	simm.s32 @!p1 $0x0  }
0x14: {  	s2 =	sld [smem:$0x3F94];
	s0 =	simm.s32 @p1 $0x1  }
0x15: {  	[smem:$0x3FB1] =	sst s0;
	s0 =	simm.s32 @!p2 $0x0  }
0x16: {  	s3 =	sld [smem:$0x3FDB];
	s0 =	simm.s32 @p2 $0x1  }
0x17: {  	s4 =	simm.s32 $0x1BF5;
	[smem:$0x3FB3] =	sst s0  }
0x18: {  	s0 =	sld [smem:$0x3F96];
	_ =	swait.ge [sflag:s4], $0x0  }
0x19: {  	s7 =	sld [smem:$0x3F97]  }
0x1a: {  	s8 =	sadd.s32 $0xFFFFE003, lr  }
0x1b: {  	s9 =	sadd.s32 $0xFFFFFEF7, lr;
	s5 =	simm.s32 $0xFFFFFFFF;
	p2 =	slt.u32 s8, $0xFFFFF086  }
0x1c: {  	p1 =	slt.u32 s9, $0xF7A;
	s5 =	simm.s32 @!p2 $0x0  }
0x1d: {  	s5 =	simm.s32 @p1 $0x1;
	p0 =	seq.s32 s7, s2  }
0x1e: {  	s7 =	smul.u32 @!p0 $0xF7A, s2;
	p2 =	seq.s32 @!p0 s5, $0x0  }
0x1f: {  	s9 =	smul.u32 $0xF7A, s1;
	s8 =	simm.s32 @!p0 $0x1BF5;
	p2 =	por !p2, p0  }
0x20: {  	[sflag:s8] =	ssyncset.s32 @!p0 $0xFFFFF086;
	s6 =	sadd.s32 @!p0 s3, s7;
	s7 =	simm.s32 @!p0 $0x108  }
0x21: {  	s3 =	sadd.s32 s3, s9;
	s6 =	sadd.s32 @!p0 $0x88, s6;
	s7 =	simm.s32 @p2 $0x1082  }
0x22: {  	[simem:s7], [sflag:s8] =	dma.local @!p0 [hbm:s6], $0xF7A  }
0x23: {  	s9 =	sor.u32 $0xD0000000, s2;
	s6 =	simm.s32 $0x108;
	_ =	swait.ge @!p0 [sflag:s8], $0x0  }
0x24: {  	s3 =	sadd.s32 $0x88, s3;
	s6 =	simm.s32 @!p1 $0x1082;
	[sflag:s4] =	ssyncset.s32 $0xFFFFF086  }
0x25: {  	[simem:s6], [sflag:s4] =	dma.local [hbm:s3], $0xF7A  }
0x26: {  	[smem:$0x3F97] =	sst s1;
	(tag) =	ssettag s2;
	_ =	strace s9  }
0x27: {  	s1 =	sld [smem:$0x3FA7]  }
0x28: {  	s2 =	sld [smem:$0x3FA8]  }
0x29: {  	s4 =	sld [smem:$0x3FAA]  }
0x2a: {  	p0 =	seq.s32 s5, $0x0;
	s5 =	sld [smem:$0x3FAB]  }
0x2b: {  	s6 =	sld [smem:$0x3FAC]  }
0x2c: {  	s7 =	sld [smem:$0x3FAD]  }
0x2d: {  	s3 =	simm.s32 $0x108;
	s8 =	sld [smem:$0x3FAE]  }
0x2e: {  	s3 =	simm.s32 @!p0 $0x1082;
	s9 =	sld [smem:$0x3FAF]  }
0x2f: {  	lr =	sadd.s32 s0, s3;
	s0 =	sld [smem:$0x3FA6]  }
0x30: {  	s3 =	sld [smem:$0x3FA9]  }
0x31: {  	[smem:$0x3FB2] =	sst s10  }
0x32: {  	s10 =	sld [smem:$0x3FB0];
	_ =	sdelay $0x3  }
0x33: {  	p0 =	seq.s32 s10, $0x1;
	s10 =	sld [smem:$0x3FB2];
	_ =	sdelay $0x3  }
0x34: {  	[smem:$0x3FB2] =	sst s10  }
0x35: {  	s10 =	sld [smem:$0x3FB1];
	_ =	sdelay $0x3  }
0x36: {  	p1 =	seq.s32 s10, $0x1;
	s10 =	sld [smem:$0x3FB2];
	_ =	sdelay $0x3  }
0x37: {  	[smem:$0x3FB2] =	sst s10  }
0x38: {  	s10 =	sld [smem:$0x3FB3]  }
0x39: {  	_ = 	snop;
	(pc) =	sbr.ind lr, $3  }
0x3a: {  	_ = 	snop  }
0x3b: {  	_ = 	snop  }
0x3c: {  	p2 =	seq.s32 s10, $0x1;
	s10 =	sld [smem:$0x3FB2]  }
0x3d: {  	_ =	shalt  }
0x3e: {  	_ =	shalt  }
0x3f: {  	_ =	shalt  }
0x40: {  	_ =	shalt  }
0x41: {  	_ =	shalt  }
0x42: {  	_ =	shalt  }
0x43: {  	_ =	shalt  }
0x44: {  	_ =	shalt  }
0x45: {  	_ =	shalt  }
0x46: {  	_ =	shalt  }
0x47: {  	_ =	shalt  }
0x48: {  	_ =	shalt  }
0x49: {  	_ =	shalt  }
0x4a: {  	_ =	shalt  }
0x4b: {  	_ =	shalt  }
0x4c: {  	_ =	shalt  }
0x4d: {  	_ =	shalt  }
0x4e: {  	_ =	shalt  }
0x4f: {  	_ =	shalt  }
0x50: {  	_ =	shalt  }
0x51: {  	_ =	shalt  }
0x52: {  	_ =	shalt  }
0x53: {  	_ =	shalt  }
0x54: {  	_ =	shalt  }
0x55: {  	_ =	shalt  }
0x56: {  	_ =	shalt  }
0x57: {  	_ =	shalt  }
0x58: {  	_ =	shalt  }
0x59: {  	_ =	shalt  }
0x5a: {  	_ =	shalt  }
0x5b: {  	_ =	shalt  }
0x5c: {  	_ =	shalt  }
0x5d: {  	_ =	shalt  }
0x5e: {  	_ =	shalt  }
0x5f: {  	_ =	shalt  }
0x60: {  	_ =	shalt  }
0x61: {  	_ =	shalt  }
0x62: {  	_ =	shalt  }
0x63: {  	_ =	shalt  }
0x64: {  	_ =	shalt  }
0x65: {  	_ =	shalt  }
0x66: {  	_ =	shalt  }
0x67: {  	_ =	shalt  }
0x68: {  	_ =	shalt  }
0x69: {  	_ =	shalt  }
0x6a: {  	_ =	shalt  }
0x6b: {  	_ =	shalt  }
0x6c: {  	_ =	shalt  }
0x6d: {  	_ =	shalt  }
0x6e: {  	_ =	shalt  }
0x6f: {  	_ =	shalt  }
0x70: {  	_ =	shalt  }
0x71: {  	_ =	shalt  }
0x72: {  	_ =	shalt  }
0x73: {  	_ =	shalt  }
0x74: {  	_ =	shalt  }
0x75: {  	_ =	shalt  }
0x76: {  	_ =	shalt  }
0x77: {  	_ =	shalt  }
0x78: {  	_ =	shalt  }
0x79: {  	_ =	shalt  }
0x7a: {  	_ =	shalt  }
0x7b: {  	_ =	shalt  }
0x7c: {  	_ =	shalt  }
0x7d: {  	_ =	shalt  }
0x7e: {  	_ =	shalt  }
0x7f: {  	_ =	shalt  }
0x80: {  	_ =	shalt  }
0x81: {  	_ =	shalt  }
0x82: {  	_ =	shalt  }
0x83: {  	_ =	shalt  }
0x84: {  	_ =	shalt  }
0x85: {  	_ =	shalt  }
0x86: {  	_ =	shalt  }
0x87: {  	_ =	shalt  }
.Lfunc_end0:
.L_simem_size_0:
called_computation.1_lowered:
.L_overlay_start_0:
0x88: {  	s2 =	sld [smem:$0x3FD9]  }
0x89: {  	s3 =	sld [smem:$0x3FFE];
	_ =	sdelay $0x1  }
0x8a: {  	s1 =	srdreg.scid  }
0x8b: {  	s0 =	sand.u32 $0x1, s1  }
0x8c: {  	s17 =	sshll.u32 s0, $0xA;
	s2 =	sadd.s32 s3, s2  }
0x8d: {  	s2 =	sadd.s32 s2, s17  }
0x8e: {  	[smem:$0x3FBE] =	sst s2  }
0x8f: {  	_ = 	snop  }
0x90: {  	s18 =	sld [smem:$0x3FC9]  }
0x91: {  	s4 =	sld [smem:$0x3FC8]  }
0x92: {  	s5 =	sld [smem:$0x3FC6]  }
0x93: {  	s6 =	sld [smem:$0x3FC5];
	(tm) =	ssettm $0x1  }
0x94: {  	s19 =	sld [smem:$0x3FFB];
	_ =	sdelay $0x3  }
0x95: {  	_ =	strace s19  }
0x96: {  	s2 =	sld [smem:$0x3FFC];
	_ =	sdelay $0x3  }
0x97: {  	_ =	strace s2  }
0x98: {  	s2 =	sld [smem:$0x3FFD];
	_ =	sdelay $0x3  }
0x99: {  	_ =	strace s2  }
0x9a: {  	_ =	strace $0x8FFFFFFF  }
0x9b: {  	s20 =	sld [smem:$0x3FDB];
	_ =	sdelay $0x1  }
0x9c: {  	s7 =	simm.s32 $_scs_section_size  }
0x9d: {  	s8 =	simm.s32 $_size__tile_overlayer_lowered;
	s9 =	simm.s32 $_tile_overlayer_lowered  }
0x9e: {  	s10 =	simm.s32 $0x1BFF;
	s21 =	sshll.u32 s9, $0x1;
	s7 =	sadd.s32 s7, s20  }
0x9f: {  	s22 =	simm.s32 $0x0;
	s8 =	sshll.u32 s8, $0x1;
	s9 =	sadd.s32 s21, s7  }
0xa0: {  	[timem:s22], [sflag:s10] =	dma.local [hbm:s9], s8  }
0xa1: {  	_ =	swait.ge [sflag:s10], s8  }
0xa2: {  	s8 =	ssub.s32 $0x0, s8;
	[sflag:s10] =	ssyncset.done $0x0  }
0xa3: {  	[sflag:s10] =	ssyncadd.s32 s8;
	_ =	sdelay $0x1  }
0xa4: {  	s23 =	simm.s32 $0x1B8B  }
0xa5: {  	_ =	swait.ge [sflag:s23], $0x1  }
0xa6: {  	[sflag:s23] =	ssyncset.done $0x0  }
0xa7: {  	[sflag:s23] =	ssyncadd.s32 $0xFFFFFFFF  }
0xa8: {  	s8 =	sld [smem:$0x0]  }
0xa9: {  	s9 =	sand.u32 $0xFFFFFFFE, s1  }
0xaa: {  	p0 =	sne.s32 s1, s9  }
0xab: {  	s9 =	sshll.u32 @p0 s9, $0xE  }
0xac: {  	s9 =	sadd.s32 @p0 $0x11B8D, s9;
	s10 =	sshll.u32 @p0 s8, $0x11  }
0xad: {  	s9 =	sor.u32 @p0 s10, s9  }
0xae: {  	[sflag:s9] =	ssyncadd.remote.s32 @p0 $0x1;
	_ =	sdelay $0x1  }
0xaf: {  	s9 =	simm.s32 @p0 $0x1B8D  }
0xb0: {  	_ =	swait.eq @p0 [sflag:s9], $0x1  }
0xb1: {  	[sflag:s9] =	ssyncadd.s32 @p0 $0xFFFFFFFF  }
0xb2: {  	s10 =	sshll.u32 @!p0 s1, $0xE  }
0xb3: {  	s10 =	sor.u32 @!p0 $0x4000, s10;
	s9 =	simm.s32 @!p0 $0x1B8D  }
0xb4: {  	s8 =	sshll.u32 @!p0 s8, $0x11;
	s10 =	sadd.s32 @!p0 $0x11B8D, s10;
	_ =	swait.eq @!p0 [sflag:s9], $0x1  }
0xb5: {  	s8 =	sor.u32 @!p0 s8, s10;
	[sflag:s9] =	ssyncadd.s32 @!p0 $0xFFFFFFFF  }
0xb6: {  	s25 =	simm.s32 $0x1B8E;
	s24 =	sld [smem:$0x3FFE];
	[sflag:s8] =	ssyncadd.remote.s32 @!p0 $0x1  }
0xb7: {  	s26 =	simm.s32 $execute0_lowered;
	[smem:$0x3FD2] =	sst s25  }
0xb8: {  	s9 =	sshll.u32 s26, $0x1;
	_ =	strace $0x80000049;
	[dreg:$0x1] =	wrdreg $0xFFFFFFFF  }
0xb9: {  	s28 =	simm.s32 $_size_execute0_lowered;
	s7 =	sadd.s32 s7, s9;
	[dreg:$0x0] =	wrdreg $0x0  }
0xba: {  	s9 =	sshll.u32 s28, $0x1;
	[dreg:$0x2] =	wrdreg s7  }
0xbb: {  	[dreg:$0x3] =	wrdreg s9  }
0xbc: {  	[dreg:$0x4] =	wrdreg $0xC0  }
0xbd: {  	_ =	task [dreg:s22], $0x5FFFF  }
0xbe: {  	[dreg:$0x1] =	wrdreg $0xFFFFFFFF  }
0xbf: {  	[dreg:$0x0] =	wrdreg $0x60  }
0xc0: {  	[dreg:$0x2] =	wrdreg s18  }
0xc1: {  	[dreg:$0x3] =	wrdreg s4  }
0xc2: {  	[dreg:$0x4] =	wrdreg s5  }
0xc3: {  	[dreg:$0x5] =	wrdreg s6  }
0xc4: {  	[dreg:$0x6] =	wrdreg s24  }
0xc5: {  	[dreg:$0x7] =	wrdreg $0xA  }
0xc6: {  	_ =	task.clear_ibuf [dreg:s22], $0x8FFFF;
	_ =	strace $0x90000049  }
0xc7: {  	s29 =	simm.s32 $0xA;
	_ =	strace $0x8000004B  }
0xc8: {  	_ =	swait.ge [sflag:s29], $0x1  }
0xc9: {  	[sflag:s29] =	ssyncadd.s32 $0xFFFFFFFF  }
0xca: {  	_ =	strace $0x9000004B  }
0xcb: {  	_ =	sfence  }
0xcc: {  	s30 =	sld [smem:$0x0];
	_ =	sdelay $0x2  }
0xcd: {  	s31 =	sshll.u32 s1, $0xD;
	s1 =	sshrl.u32 s1, $0x2  }
0xce: {  	s4 =	sand.u32 $0x4000, s31;
	s1 =	sadd.s32 s1, s30  }
0xcf: {  	s0 =	sor.u32 s4, s0;
	s1 =	sshll.u32 s1, $0x11  }
0xd0: {  	s0 =	sor.u32 s1, s0  }
0xd1: {  	s0 =	sadd.s32 $0x8F2B, s0  }
0xd2: {  	[sflag:s0] =	ssyncadd.remote.s32 $0x1  }
0xd3: {  	_ =	sfence.sel $0xFFFF  }
0xd4: {  	[dreg:$0x0] =	wrdreg $0xFFFFFFFF;
	(pc) =	sbr.abs _section_cstart, $3  }
0xd5: {  	[dreg:$0x1] =	wrdreg $0xFFFFFFFF  }
0xd6: {  	_ =	task.clear_ibuf [dreg:s22], $0x2FFFF;
	_ =	strace $0x9FFFFFFF  }
0xd7: {  	(tm) =	ssettm $0x7FFFFFFF  }
tec
execute0_lowered:
.L_overlay_start_1:
0x0: {  	(tag) =	ssettag $0x1  }
0x1: {  	s5 =	rddreg [dreg:$0x0]  }
0x2: {  	s7 =	rddreg [dreg:$0x1];
	s2 =	srdreg.scid  }
0x3: {  	s1 =	rddreg [dreg:$0x2];
	s0 =	stileid.u32;
	s25 =	sand.u32 $0x1, s2  }
0x4: {  	s3 =	rddreg [dreg:$0x3];
	s31 =	sshll.u32 s0, $0x9;
	s4 =	sshll.u32 s25, $0x8  }
0x5: {  	s20 =	rddreg [dreg:$0x4];
	s16 =	sor.u32 s4, s31  }
0x6: {  	s2 =	rddreg [dreg:$0x5];
	s4 =	simm.s32 $0x0;
	s6 =	sshrl.u32 s16, $0x3  }
0x7: {  	[smem:$0x7FF] =	sst s4;
	s8 =	sor.u32 $0x400, s6  }
0x8: {  	_ =	strace $0x8000004A;
	s6 =	simm.s32 $0x9;
	s5 =	sadd.s32 s5, s8  }
0x9: {  	[tilespmem:s4], [sflag:$0x9] =	stream.linear.gather [hbm4b:s5+s4], $0x100, $0x38;
	[tilespmem:$0x10200] =	vst v63  }
0xa: {  	_ =	swait.ge [sflag:s6], $0x100  }
0xb: {  	[sflag:s6] =	ssyncset.done $0x0  }
0xc: {  	s7 =	sadd.s32 s7, s8;
	s8 =	simm.s32 $0x100;
	[sflag:s6] =	ssyncadd.s32 $0xFFFFFF00  }
0xd: {  	[tilespmem:s8], [sflag:$0x9] =	stream.linear.gather [hbm4b:s7+s4], $0x100, $0x38;
	[tilespmem:$0x10200] =	vst v63  }
0xe: {  	_ =	swait.ge [sflag:s6], $0x100  }
0xf: {  	[sflag:s6] =	ssyncset.done $0x0  }
0x10: {  	s9 =	simm.s32 $0x80;
	s10 =	simm.s32 $0x200;
	[sflag:s6] =	ssyncadd.s32 $0xFFFFFF00  }
0x11: {  	[tilespmem:s10], [sflag:$0x1] =	stream.indirect.gather [hbm4b:s1+s9], $0x80, s4, s9, $0xb8;
	[tilespmem:$0x10200] =	vst v63  }
0x12: {  	s11 =	simm.s32 $0x4200  }
0x13: {  	[tilespmem:s11], [sflag:$0x2] =	stream.indirect.gather [hbm4b:s1+s9], $0x80, s9, s9, $0xb8;
	[tilespmem:$0x10200] =	vst v63  }
0x14: {  	s12 =	simm.s32 $0x8200  }
0x15: {  	[tilespmem:s12], [sflag:$0x3] =	stream.indirect.gather [hbm4b:s3+s9], $0x80, s8, s9, $0xb8;
	[tilespmem:$0x10200] =	vst v63  }
0x16: {  	s13 =	simm.s32 $0x180;
	s14 =	simm.s32 $0xC200;
	s15 =	simm.s32 $0x1  }
0x17: {  	[tilespmem:s14], [sflag:$0x4] =	stream.indirect.gather [hbm4b:s3+s9], $0x80, s13, s9, $0xb8;
	[tilespmem:$0x10200] =	vst v63  }
0x18: {  	_ =	swait.ge [sflag:s15], $0x4000  }
0x19: {  	s18 =	sadd.s32 $0x22400, s20;
	s21 =	sshll.u32 s16, $0x4;
	[sflag:s15] =	ssyncset.done $0x0  }
0x1a: {  	s17 =	simm.s32 $0x2;
	s16 =	sadd.s32 s18, s21;
	[sflag:s15] =	ssyncadd.s32 $0xFFFFC000  }
0x1b: {  	[hbm4b:s16+s4] =	stream.linear.scatter [tilespmem:s10], [sflag:$0x5], $0x4000, $0x38;
	[tilespmem:$0x10200] =	vst v63  }
0x1c: {  	_ =	swait.ge [sflag:s17], $0x4000  }
0x1d: {  	s22 =	sor.u32 $0x800, s21;
	[sflag:s17] =	ssyncset.done $0x0  }
0x1e: {  	s19 =	simm.s32 $0x3;
	s18 =	sadd.s32 s18, s22;
	[sflag:s17] =	ssyncadd.s32 $0xFFFFC000  }
0x1f: {  	[hbm4b:s18+s4] =	stream.linear.scatter [tilespmem:s11], [sflag:$0x6], $0x4000, $0x38;
	[tilespmem:$0x10200] =	vst v63  }
0x20: {  	_ =	swait.ge [sflag:s19], $0x4000  }
0x21: {  	s23 =	sadd.s32 $0x42400, s20;
	[sflag:s19] =	ssyncset.done $0x0  }
0x22: {  	s20 =	sadd.s32 s23, s21;
	s21 =	simm.s32 $0x4;
	[sflag:s19] =	ssyncadd.s32 $0xFFFFC000  }
0x23: {  	[hbm4b:s20+s4] =	stream.linear.scatter [tilespmem:s12], [sflag:$0x7], $0x4000, $0x38;
	[tilespmem:$0x10200] =	vst v63  }
0x24: {  	_ =	swait.ge [sflag:s21], $0x4000  }
0x25: {  	[sflag:s21] =	ssyncset.done $0x0  }
0x26: {  	s22 =	sadd.s32 s23, s22;
	s23 =	simm.s32 $0x5;
	[sflag:s21] =	ssyncadd.s32 $0xFFFFC000  }
0x27: {  	[hbm4b:s22+s4] =	stream.linear.scatter [tilespmem:s14], [sflag:$0x8], $0x4000, $0x38;
	[tilespmem:$0x10200] =	vst v63  }
0x28: {  	_ =	swait.ge [sflag:s23], $0x4000  }
0x29: {  	s26 =	ssub.s32 $0x2, s25;
	[sflag:s23] =	ssyncset.done $0x0  }
0x2a: {  	s24 =	simm.s32 $0x6;
	s28 =	sshrl.u32 s26, $0x1;
	[sflag:s23] =	ssyncadd.s32 $0xFFFFC000  }
0x2b: {  	s26 =	ssub.s32 s26, s28;
	_ =	swait.ge [sflag:s24], $0x4000  }
0x2c: {  	s28 =	smax.u32 s26, $0x1;
	[sflag:s24] =	ssyncset.done $0x0  }
0x2d: {  	s25 =	simm.s32 $0x7;
	p0 =	sne.s32 s28, $0x1;
	[sflag:s24] =	ssyncadd.s32 $0xFFFFC000  }
.Ltmp0:
0x2e: {  	_ =	swait.ge [sflag:s25], $0x4000;
	(pc) =	sbr.rel @!p0 .LBB2_2-.Ltmp0, $4  }
0x2f: {  	[sflag:s25] =	ssyncset.done $0x0  }
0x30: {  	s26 =	simm.s32 $0x8;
	[sflag:s25] =	ssyncadd.s32 $0xFFFFC000  }
0x31: {  	_ =	swait.ge [sflag:s26], $0x4000  }
0x32: {  	s28 =	sadd.s32 $0xFFFFFFFF, s28;
	[sflag:s26] =	ssyncset.done $0x0  }
.LBB2_1:
0x33: {  	p0 =	sne.s32 s28, $0x1;
	s28 =	sadd.s32 $0xFFFFFFFF, s28;
	[sflag:s26] =	ssyncadd.s32 $0xFFFFC000  }
0x34: {  	[tilespmem:s4], [sflag:$0x9] =	stream.linear.gather [hbm4b:s5+s4], $0x100, $0x38;
	[tilespmem:$0x10200] =	vst v63  }
0x35: {  	_ =	swait.ge [sflag:s6], $0x100  }
0x36: {  	[sflag:s6] =	ssyncset.done $0x0  }
0x37: {  	[sflag:s6] =	ssyncadd.s32 $0xFFFFFF00  }
0x38: {  	[tilespmem:s8], [sflag:$0x9] =	stream.linear.gather [hbm4b:s7+s4], $0x100, $0x38;
	[tilespmem:$0x10200] =	vst v63  }
0x39: {  	_ =	swait.ge [sflag:s6], $0x100  }
0x3a: {  	[sflag:s6] =	ssyncset.done $0x0  }
0x3b: {  	[sflag:s6] =	ssyncadd.s32 $0xFFFFFF00  }
0x3c: {  	[tilespmem:s10], [sflag:$0x1] =	stream.indirect.gather [hbm4b:s1+s9], $0x80, s4, s9, $0xb8;
	[tilespmem:$0x10200] =	vst v63  }
0x3d: {  	_ = 	snop  }
0x3e: {  	[tilespmem:s11], [sflag:$0x2] =	stream.indirect.gather [hbm4b:s1+s9], $0x80, s9, s9, $0xb8;
	[tilespmem:$0x10200] =	vst v63  }
0x3f: {  	_ = 	snop  }
0x40: {  	[tilespmem:s12], [sflag:$0x3] =	stream.indirect.gather [hbm4b:s3+s9], $0x80, s8, s9, $0xb8;
	[tilespmem:$0x10200] =	vst v63  }
0x41: {  	_ = 	snop  }
0x42: {  	[tilespmem:s14], [sflag:$0x4] =	stream.indirect.gather [hbm4b:s3+s9], $0x80, s13, s9, $0xb8;
	[tilespmem:$0x10200] =	vst v63  }
0x43: {  	_ =	swait.ge [sflag:s15], $0x4000  }
0x44: {  	[sflag:s15] =	ssyncset.done $0x0  }
0x45: {  	[sflag:s15] =	ssyncadd.s32 $0xFFFFC000  }
0x46: {  	[hbm4b:s16+s4] =	stream.linear.scatter [tilespmem:s10], [sflag:$0x5], $0x4000, $0x38;
	[tilespmem:$0x10200] =	vst v63  }
0x47: {  	_ =	swait.ge [sflag:s17], $0x4000  }
0x48: {  	[sflag:s17] =	ssyncset.done $0x0  }
0x49: {  	[sflag:s17] =	ssyncadd.s32 $0xFFFFC000  }
0x4a: {  	[hbm4b:s18+s4] =	stream.linear.scatter [tilespmem:s11], [sflag:$0x6], $0x4000, $0x38;
	[tilespmem:$0x10200] =	vst v63  }
0x4b: {  	_ =	swait.ge [sflag:s19], $0x4000  }
0x4c: {  	[sflag:s19] =	ssyncset.done $0x0  }
0x4d: {  	[sflag:s19] =	ssyncadd.s32 $0xFFFFC000  }
0x4e: {  	[hbm4b:s20+s4] =	stream.linear.scatter [tilespmem:s12], [sflag:$0x7], $0x4000, $0x38;
	[tilespmem:$0x10200] =	vst v63  }
0x4f: {  	_ =	swait.ge [sflag:s21], $0x4000  }
0x50: {  	[sflag:s21] =	ssyncset.done $0x0  }
0x51: {  	[sflag:s21] =	ssyncadd.s32 $0xFFFFC000  }
0x52: {  	[hbm4b:s22+s4] =	stream.linear.scatter [tilespmem:s14], [sflag:$0x8], $0x4000, $0x38;
	[tilespmem:$0x10200] =	vst v63  }
0x53: {  	_ =	swait.ge [sflag:s23], $0x4000  }
0x54: {  	[sflag:s23] =	ssyncset.done $0x0  }
0x55: {  	[sflag:s23] =	ssyncadd.s32 $0xFFFFC000  }
0x56: {  	_ =	swait.ge [sflag:s24], $0x4000  }
0x57: {  	[sflag:s24] =	ssyncset.done $0x0  }
0x58: {  	[sflag:s24] =	ssyncadd.s32 $0xFFFFC000  }
.Ltmp1:
0x59: {  	_ =	swait.ge [sflag:s25], $0x4000;
	(pc) =	sbr.rel @p0 .LBB2_1-.Ltmp1, $4  }
0x5a: {  	[sflag:s25] =	ssyncset.done $0x0  }
0x5b: {  	[sflag:s25] =	ssyncadd.s32 $0xFFFFC000  }
0x5c: {  	_ =	swait.ge [sflag:s26], $0x4000  }
0x5d: {  	[sflag:s26] =	ssyncset.done $0x0  }
.LBB2_2:
0x5e: {  	[sflag:s26] =	ssyncadd.s32 $0xFFFFC000  }
0x5f: {  	_ =	sfence.sel $0x180000  }
0x60: {  	[bflag:$0x0] =	sbarrier.arrive $0xFFFF  }
0x61: {  	p0 =	sne.s32 s0, $0x0;
	_ =	strace $0x9000004A  }
0x62: {  	s0 =	sadd.s32 @!p0 $0x100000, s2;
	[bflag:$0x2] =	sbarrier.arrive $0xFFFF  }
0x63: {  	[sflag:s0] =	ssyncadd.tile.s32 @!p0 $0x1;
	_ =	shalt  }
.Lfunc_end2:
_tile_overlayer_lowered:
.L_overlay_start_2:
0x64: {  	(tag) =	ssettag $0x2  }
0x65: {  	s0 =	rddreg [dreg:$0x0];
	s2 =	stileid.u32  }
0x66: {  	s1 =	rddreg [dreg:$0x1];
	p0 =	sne.s32 s2, $0x0  }
0x67: {  	s3 =	rddreg [dreg:$0x2];
	[bflag:$0x3] =	sbarrier.arrive $0xFFFF;
	s2 =	simm.s32 @!p0 $0x1C09  }
0x68: {  	[timem:s3], [sflag:s2] =	dma.local @!p0 [hbm:s0], s1  }
0x69: {  	s0 =	simm.s32 @!p0 $0x9  }
0x6a: {  	_ =	swait.ge @!p0 [sflag:s0], s1  }
0x6b: {  	s1 =	ssub.s32 @!p0 $0x0, s1;
	[sflag:s0] =	ssyncset.done @!p0 $0x0  }
0x6c: {  	[sflag:s0] =	ssyncadd.s32 @!p0 s1  }
0x6d: {  	[bflag:$0x3] =	sbarrier.arrive $0xFFFF  }
0x6e: {  	_ =	shalt  }

</sc_bundles>
